<compile_context>
chip_gen: v7x
topology: tpu7x:2x2x1
jax: 0.10.2.dev20260603
libtpu: 0.0.44.dev20260713+nightly
codegen_flags: <defaults>
</compile_context>

<pallas_src>
import functools

import jax
import jax.numpy as jnp
from jax import lax
from jax.experimental import pallas as pl
from jax.experimental.pallas import tpu as pltpu
from jax.experimental.pallas import tpu_sc as plsc

LATENT_DIM = 64
LANES = 16
CHUNK = 256


def _make_gather_kernel(batch, nw, nc):
    b_per_w = batch // nw
    n_chunks = b_per_w // CHUNK
    mesh = plsc.VectorSubcoreMesh(core_axis_name="c", subcore_axis_name="s")

    @functools.partial(
        pl.kernel,
        mesh=mesh,
        out_type=jax.ShapeDtypeStruct((batch, 2 * LATENT_DIM), jnp.float32),
        scratch_types=[
            pltpu.VMEM((b_per_w,), jnp.int32),
            pltpu.VMEM((b_per_w,), jnp.int32),
            pltpu.VMEM((CHUNK, 2 * LATENT_DIM), jnp.float32),
            pltpu.SemaphoreType.DMA,
        ],
        compiler_params=pltpu.CompilerParams(needs_layout_passes=False),
    )
    def kg(bidx_hbm, tab_hbm, stage_hbm, idx_v, st_v, rows_v, sem):
        wid = lax.axis_index("s") * nc + lax.axis_index("c")
        base = wid * b_per_w
        pltpu.sync_copy(bidx_hbm.at[pl.ds(base, b_per_w)], idx_v)

        def st_body(j, carry):
            sl = pl.ds(j * LANES, LANES)
            st_v[sl] = lax.shift_right_logical(idx_v[sl], 1)
            return carry

        lax.fori_loop(0, b_per_w // LANES, st_body, 0)

        def chunk_body(c, carry):
            cbase = c * CHUNK
            pltpu.async_copy(
                tab_hbm.at[st_v.at[pl.ds(cbase, CHUNK)]], rows_v,
                sem).wait()
            pltpu.sync_copy(rows_v,
                            stage_hbm.at[pl.ds(base + cbase, CHUNK), :])
            return carry

        lax.fori_loop(0, n_chunks, chunk_body, 0)

    return kg


def _make_dot_kernel(batch, nw, nc):
    b_per_w = batch // nw
    n_chunks = b_per_w // CHUNK
    mesh = plsc.VectorSubcoreMesh(core_axis_name="c", subcore_axis_name="s")

    @functools.partial(
        pl.kernel,
        mesh=mesh,
        out_type=jax.ShapeDtypeStruct((batch,), jnp.float32),
        scratch_types=[
            pltpu.VMEM((b_per_w,), jnp.int32),
            pltpu.VMEM((b_per_w,), jnp.int32),
            pltpu.VMEM((CHUNK, 2 * LATENT_DIM), jnp.float32),
            pltpu.VMEM((CHUNK, 2 * LATENT_DIM), jnp.float32),
            pltpu.VMEM((b_per_w,), jnp.float32),
            pltpu.SemaphoreType.DMA,
            pltpu.SemaphoreType.DMA,
        ],
        compiler_params=pltpu.CompilerParams(needs_layout_passes=False),
    )
    def kd(users_hbm, items_hbm, ustage_hbm, istage_hbm, out_hbm,
           uidx_v, iidx_v, urows_v, irows_v, out_v, sem_u, sem_i):
        wid = lax.axis_index("s") * nc + lax.axis_index("c")
        base = wid * b_per_w
        pltpu.sync_copy(users_hbm.at[pl.ds(base, b_per_w)], uidx_v)
        pltpu.sync_copy(items_hbm.at[pl.ds(base, b_per_w)], iidx_v)
        lane_ids = lax.iota(jnp.int32, LANES)

        def chunk_body(c, carry):
            cbase = c * CHUNK
            cu = pltpu.async_copy(
                ustage_hbm.at[pl.ds(base + cbase, CHUNK), :], urows_v,
                sem_u)
            ci = pltpu.async_copy(
                istage_hbm.at[pl.ds(base + cbase, CHUNK), :], irows_v,
                sem_i)
            cu.wait()
            ci.wait()

            def group_body(g, carry2):
                rows = g * LANES + lane_ids
                uofs = lax.shift_left(
                    jnp.bitwise_and(uidx_v[pl.ds(cbase + g * LANES, LANES)],
                                    1), 6)
                iofs = lax.shift_left(
                    jnp.bitwise_and(iidx_v[pl.ds(cbase + g * LANES, LANES)],
                                    1), 6)
                acc = jnp.zeros((LANES,), jnp.float32)
                for d in range(LATENT_DIM):
                    uv = plsc.load_gather(urows_v, [rows, uofs + d])
                    iv = plsc.load_gather(irows_v, [rows, iofs + d])
                    acc = acc + uv * iv
                out_v[pl.ds(cbase + g * LANES, LANES)] = (
                    1.0 / (1.0 + jnp.exp(-acc)))
                return carry2

            lax.fori_loop(0, CHUNK // LANES, group_body, 0)
            return carry

        lax.fori_loop(0, n_chunks, chunk_body, 0)
        pltpu.sync_copy(out_v, out_hbm.at[pl.ds(base, b_per_w)])

    return kd


def kernel(users, items, embedding_user, embedding_item):
    info = plsc.get_sparse_core_info()
    nw = info.num_cores * info.num_subcores
    nc = info.num_cores
    batch = users.shape[0]
    kg = _make_gather_kernel(batch, nw, nc)
    kd = _make_dot_kernel(batch, nw, nc)
    ui = users.astype(jnp.int32)
    ii = items.astype(jnp.int32)
    ut2 = embedding_user.reshape(embedding_user.shape[0] // 2,
                                 2 * LATENT_DIM)
    it2 = embedding_item.reshape(embedding_item.shape[0] // 2,
                                 2 * LATENT_DIM)
    u_stage = kg(ui, ut2)
    i_stage = kg(ii, it2)
    return kd(ui, ii, u_stage, i_stage)

# --- scband reference (transcript-rebuilt; emitter-appended) ---
"""Pipeline reference for scband-pure-mf-38697655337191 (READ-ONLY COPY).

The authoritative reference and input builder live on the scoring server;
editing this copy changes nothing except your own understanding.
"""

import jax, jax.numpy as jnp
import numpy as np

NUM_USERS = 1000000
NUM_ITEMS = 1000000
LATENT_DIM = 64
BATCH = 16384

def setup_inputs(seed: int = 0) -> dict:
    key = jax.random.key(seed)
    k1, k2, k3, k4 = jax.random.split(key, 4)
    users = jax.random.randint(k1, (BATCH,), 0, NUM_USERS, dtype=jnp.int64) if jax.config.jax_enable_x64 else jax.random.randint(k1, (BATCH,), 0, NUM_USERS).astype(jnp.int32)
    items = jax.random.randint(k2, (BATCH,), 0, NUM_ITEMS).astype(users.dtype)
    embedding_user = 0.1 * jax.random.normal(k3, (NUM_USERS, LATENT_DIM), dtype=jnp.float32)
    embedding_item = 0.1 * jax.random.normal(k4, (NUM_ITEMS, LATENT_DIM), dtype=jnp.float32)
    return {"users": users, "items": items, "embedding_user": embedding_user, "embedding_item": embedding_item}

def reference(users, items, embedding_user, embedding_item):
    # u_emb = self.embedding_user(users.long())
    u_emb = jnp.take(embedding_user, users, axis=0)
    # i_emb = self.embedding_item(items.long())
    i_emb = jnp.take(embedding_item, items, axis=0)
    # scores = torch.sum(u_emb * i_emb, dim=1); return sigmoid(scores)
    scores = jnp.sum(u_emb * i_emb, axis=1)
    return jax.nn.sigmoid(scores)

if __name__ == "__main__":
    import jax
    _d = setup_inputs()
    print(jax.jit(kernel)(*tuple(_d.values())))

</pallas_src>

<mosaic_0001>
#map = affine_map<(d0, d1) -> (0)>
#map1 = affine_map<(d0, d1) -> (0, 0)>
module attributes {stable_mosaic.version = 14 : i64} {
  func.func @kg(%arg0: i32, %arg1: i32, %arg2: memref<16384xi32, #tpu.memory_space<hbm>>, %arg3: memref<500000x128xf32, #tpu.memory_space<hbm>>, %arg4: memref<16384x128xf32, #tpu.memory_space<hbm>>, %arg5: memref<512xi32, #tpu.memory_space<vmem>>, %arg6: memref<512xi32, #tpu.memory_space<vmem>>, %arg7: memref<256x128xf32, #tpu.memory_space<vmem>>, %arg8: memref<!tpu.dma_semaphore, #tpu.memory_space<semaphore_mem>>) attributes {dimension_semantics = [#tpu.dimension_semantics<core_parallel>, #tpu.dimension_semantics<subcore_parallel>], iteration_bounds = array<i64: 2, 16>, scalar_prefetch = 0 : i64, scratch_operands = 4 : i64, tpu.core_type = #tpu.core_type<sc_vector_subcore>, window_params = [{transform_indices = #map}, {transform_indices = #map1}, {transform_indices = #map1}]} {
    %mul3A = arith.constant 2 : i32
    %mul3A_0 = arith.muli %arg1, %mul3A : i32
    %add3A = arith.addi %mul3A_0, %arg0 : i32
    %mul3A_1 = arith.constant 512 : i32
    %mul3A_2 = arith.muli %add3A, %mul3A_1 : i32
    "tpu.region"() ({
      %run_scoped3A = tpu.sem_alloc : memref<!tpu.dma_semaphore, #tpu.memory_space<semaphore_mem>>
      %dma_start3A = tpu.memref_slice %arg2[%mul3A_2] : memref<16384xi32, #tpu.memory_space<hbm>> -> memref<512xi32, #tpu.memory_space<hbm>>
      %dma_start3A_14 = tpu.memref_slice %arg2[%mul3A_2] : memref<16384xi32, #tpu.memory_space<hbm>> -> memref<512xi32, #tpu.memory_space<hbm>>
      tpu.enqueue_dma source(%dma_start3A_14 : memref<512xi32, #tpu.memory_space<hbm>>) target(%arg5 : memref<512xi32, #tpu.memory_space<vmem>>) target_semaphore(%run_scoped3A : memref<!tpu.dma_semaphore, #tpu.memory_space<semaphore_mem>>)
      %dma_wait3A = tpu.memref_slice %arg2[%mul3A_2] : memref<16384xi32, #tpu.memory_space<hbm>> -> memref<512xi32, #tpu.memory_space<hbm>>
      %dma_wait3A_15 = tpu.memref_slice %arg2[%mul3A_2] : memref<16384xi32, #tpu.memory_space<hbm>> -> memref<512xi32, #tpu.memory_space<hbm>>
      tpu.wait_dma2 semaphore(%run_scoped3A : memref<!tpu.dma_semaphore, #tpu.memory_space<semaphore_mem>>) src(%dma_wait3A_15 : memref<512xi32, #tpu.memory_space<hbm>>) dst(%arg5 : memref<512xi32, #tpu.memory_space<vmem>>)
      tpu.yield
    }) : () -> ()
    %scan3A = arith.constant 0 : i32
    %scan3A_3 = arith.constant 0 : i32
    %scan3A_4 = arith.constant 32 : i32
    %scan3A_5 = arith.addi %scan3A_3, %scan3A_4 : i32
    %scan3A_6 = arith.constant 1 : i32
    scf.for %scan3A_14 = %scan3A_3 to %scan3A_5 step %scan3A_6  : i32 {
      %mul3A_15 = arith.constant 16 : i32
      %mul3A_16 = arith.muli %scan3A_14, %mul3A_15 : i32
      %get3A = arith.index_cast %mul3A_16 : i32 to index
      %get3A_17 = tpu.vector_load %arg5[%get3A] {strides = array<i32>} : memref<512xi32, #tpu.memory_space<vmem>>, vector<16xi32>,
      %shift_right_logical3A = arith.constant 1 : i32
      %shift_right_logical3A_18 = vector.broadcast %shift_right_logical3A : i32 to vector<16xi32>
      %shift_right_logical3A_19 = arith.shrui %get3A_17, %shift_right_logical3A_18 : vector<16xi32>
      %swap3A = arith.index_cast %mul3A_16 : i32 to index
      %swap3A_20 = tpu.vector_load %arg6[%swap3A] {strides = array<i32>} : memref<512xi32, #tpu.memory_space<vmem>>, vector<16xi32>,
      tpu.vector_store %arg6[%swap3A], %shift_right_logical3A_19 {strides = array<i32>} : memref<512xi32, #tpu.memory_space<vmem>>, vector<16xi32>,
    }
    %scan3A_7 = arith.constant 32 : i32
    %scan3A_8 = arith.constant 0 : i32
    %scan3A_9 = arith.constant 0 : i32
    %scan3A_10 = arith.constant 2 : i32
    %scan3A_11 = arith.addi %scan3A_9, %scan3A_10 : i32
    %scan3A_12 = arith.constant 1 : i32
    scf.for %scan3A_14 = %scan3A_9 to %scan3A_11 step %scan3A_12  : i32 {
      %mul3A_15 = arith.constant 256 : i32
      %mul3A_16 = arith.muli %scan3A_14, %mul3A_15 : i32
      %dma_start3A = tpu.memref_slice %arg6[%mul3A_16] : memref<512xi32, #tpu.memory_space<vmem>> -> memref<256xi32, #tpu.memory_space<vmem>>
      %dma_start3A_17 = arith.constant 0 : i32
      %dma_start3A_18 = arith.constant 0 : i32
      %dma_start3A_19 = tpu.memref_slice %arg3[%dma_start3A_17, %dma_start3A_18] : memref<500000x128xf32, #tpu.memory_space<hbm>> -> memref<500000x128xf32, #tpu.memory_space<hbm>>
      tpu.enqueue_indirect_dma source(%dma_start3A_19 : memref<500000x128xf32, #tpu.memory_space<hbm>>) target(%arg7 : memref<256x128xf32, #tpu.memory_space<vmem>>) offsets(%dma_start3A : memref<256xi32, #tpu.memory_space<vmem>>) semaphore(%arg8 : memref<!tpu.dma_semaphore, #tpu.memory_space<semaphore_mem>>)
      %dma_wait3A = tpu.memref_slice %arg6[%mul3A_16] : memref<512xi32, #tpu.memory_space<vmem>> -> memref<256xi32, #tpu.memory_space<vmem>>
      %dma_wait3A_20 = arith.constant 0 : i32
      %dma_wait3A_21 = arith.constant 0 : i32
      %dma_wait3A_22 = tpu.memref_slice %arg3[%dma_wait3A_20, %dma_wait3A_21] : memref<500000x128xf32, #tpu.memory_space<hbm>> -> memref<500000x128xf32, #tpu.memory_space<hbm>>
      tpu.wait_indirect_dma semaphore(%arg8 : memref<!tpu.dma_semaphore, #tpu.memory_space<semaphore_mem>>) src(%dma_wait3A_22 : memref<500000x128xf32, #tpu.memory_space<hbm>>) dst(%arg7 : memref<256x128xf32, #tpu.memory_space<vmem>>)
      %add3A_23 = arith.addi %mul3A_2, %mul3A_16 : i32
      "tpu.region"() ({
        %run_scoped3A = tpu.sem_alloc : memref<!tpu.dma_semaphore, #tpu.memory_space<semaphore_mem>>
        %dma_start3A_24 = arith.constant 0 : i32
        %dma_start3A_25 = tpu.memref_slice %arg4[%add3A_23, %dma_start3A_24] : memref<16384x128xf32, #tpu.memory_space<hbm>> -> memref<256x128xf32, #tpu.memory_space<hbm>>
        %dma_start3A_26 = arith.constant 0 : i32
        %dma_start3A_27 = tpu.memref_slice %arg4[%add3A_23, %dma_start3A_26] : memref<16384x128xf32, #tpu.memory_space<hbm>> -> memref<256x128xf32, #tpu.memory_space<hbm>>
        tpu.enqueue_dma source(%arg7 : memref<256x128xf32, #tpu.memory_space<vmem>>) target(%dma_start3A_27 : memref<256x128xf32, #tpu.memory_space<hbm>>) target_semaphore(%run_scoped3A : memref<!tpu.dma_semaphore, #tpu.memory_space<semaphore_mem>>)
        %dma_wait3A_28 = arith.constant 0 : i32
        %dma_wait3A_29 = tpu.memref_slice %arg4[%add3A_23, %dma_wait3A_28] : memref<16384x128xf32, #tpu.memory_space<hbm>> -> memref<256x128xf32, #tpu.memory_space<hbm>>
        %dma_wait3A_30 = arith.constant 0 : i32
        %dma_wait3A_31 = tpu.memref_slice %arg4[%add3A_23, %dma_wait3A_30] : memref<16384x128xf32, #tpu.memory_space<hbm>> -> memref<256x128xf32, #tpu.memory_space<hbm>>
        tpu.wait_dma2 semaphore(%run_scoped3A : memref<!tpu.dma_semaphore, #tpu.memory_space<semaphore_mem>>) src(%arg7 : memref<256x128xf32, #tpu.memory_space<vmem>>) dst(%dma_wait3A_31 : memref<256x128xf32, #tpu.memory_space<hbm>>)
        tpu.yield
      }) : () -> ()
    }
    %scan3A_13 = arith.constant 2 : i32
    return
  }
}

#map = affine_map<(d0, d1) -> (0)>
#map1 = affine_map<(d0, d1) -> (0, 0)>
module attributes {stable_mosaic.version = 14 : i64} {
  func.func @kd(%arg0: i32, %arg1: i32, %arg2: memref<16384xi32, #tpu.memory_space<hbm>>, %arg3: memref<16384xi32, #tpu.memory_space<hbm>>, %arg4: memref<16384x128xf32, #tpu.memory_space<hbm>>, %arg5: memref<16384x128xf32, #tpu.memory_space<hbm>>, %arg6: memref<16384xf32, #tpu.memory_space<hbm>>, %arg7: memref<512xi32, #tpu.memory_space<vmem>>, %arg8: memref<512xi32, #tpu.memory_space<vmem>>, %arg9: memref<256x128xf32, #tpu.memory_space<vmem>>, %arg10: memref<256x128xf32, #tpu.memory_space<vmem>>, %arg11: memref<512xf32, #tpu.memory_space<vmem>>, %arg12: memref<!tpu.dma_semaphore, #tpu.memory_space<semaphore_mem>>, %arg13: memref<!tpu.dma_semaphore, #tpu.memory_space<semaphore_mem>>) attributes {dimension_semantics = [#tpu.dimension_semantics<core_parallel>, #tpu.dimension_semantics<subcore_parallel>], iteration_bounds = array<i64: 2, 16>, scalar_prefetch = 0 : i64, scratch_operands = 7 : i64, tpu.core_type = #tpu.core_type<sc_vector_subcore>, window_params = [{transform_indices = #map}, {transform_indices = #map}, {transform_indices = #map1}, {transform_indices = #map1}, {transform_indices = #map}]} {
    %mul3A = arith.constant 2 : i32
    %mul3A_0 = arith.muli %arg1, %mul3A : i32
    %add3A = arith.addi %mul3A_0, %arg0 : i32
    %mul3A_1 = arith.constant 512 : i32
    %mul3A_2 = arith.muli %add3A, %mul3A_1 : i32
    "tpu.region"() ({
      %run_scoped3A = tpu.sem_alloc : memref<!tpu.dma_semaphore, #tpu.memory_space<semaphore_mem>>
      %dma_start3A = tpu.memref_slice %arg2[%mul3A_2] : memref<16384xi32, #tpu.memory_space<hbm>> -> memref<512xi32, #tpu.memory_space<hbm>>
      %dma_start3A_8 = tpu.memref_slice %arg2[%mul3A_2] : memref<16384xi32, #tpu.memory_space<hbm>> -> memref<512xi32, #tpu.memory_space<hbm>>
      tpu.enqueue_dma source(%dma_start3A_8 : memref<512xi32, #tpu.memory_space<hbm>>) target(%arg7 : memref<512xi32, #tpu.memory_space<vmem>>) target_semaphore(%run_scoped3A : memref<!tpu.dma_semaphore, #tpu.memory_space<semaphore_mem>>)
      %dma_wait3A = tpu.memref_slice %arg2[%mul3A_2] : memref<16384xi32, #tpu.memory_space<hbm>> -> memref<512xi32, #tpu.memory_space<hbm>>
      %dma_wait3A_9 = tpu.memref_slice %arg2[%mul3A_2] : memref<16384xi32, #tpu.memory_space<hbm>> -> memref<512xi32, #tpu.memory_space<hbm>>
      tpu.wait_dma2 semaphore(%run_scoped3A : memref<!tpu.dma_semaphore, #tpu.memory_space<semaphore_mem>>) src(%dma_wait3A_9 : memref<512xi32, #tpu.memory_space<hbm>>) dst(%arg7 : memref<512xi32, #tpu.memory_space<vmem>>)
      tpu.yield
    }) : () -> ()
    "tpu.region"() ({
      %run_scoped3A = tpu.sem_alloc : memref<!tpu.dma_semaphore, #tpu.memory_space<semaphore_mem>>
      %dma_start3A = tpu.memref_slice %arg3[%mul3A_2] : memref<16384xi32, #tpu.memory_space<hbm>> -> memref<512xi32, #tpu.memory_space<hbm>>
      %dma_start3A_8 = tpu.memref_slice %arg3[%mul3A_2] : memref<16384xi32, #tpu.memory_space<hbm>> -> memref<512xi32, #tpu.memory_space<hbm>>
      tpu.enqueue_dma source(%dma_start3A_8 : memref<512xi32, #tpu.memory_space<hbm>>) target(%arg8 : memref<512xi32, #tpu.memory_space<vmem>>) target_semaphore(%run_scoped3A : memref<!tpu.dma_semaphore, #tpu.memory_space<semaphore_mem>>)
      %dma_wait3A = tpu.memref_slice %arg3[%mul3A_2] : memref<16384xi32, #tpu.memory_space<hbm>> -> memref<512xi32, #tpu.memory_space<hbm>>
      %dma_wait3A_9 = tpu.memref_slice %arg3[%mul3A_2] : memref<16384xi32, #tpu.memory_space<hbm>> -> memref<512xi32, #tpu.memory_space<hbm>>
      tpu.wait_dma2 semaphore(%run_scoped3A : memref<!tpu.dma_semaphore, #tpu.memory_space<semaphore_mem>>) src(%dma_wait3A_9 : memref<512xi32, #tpu.memory_space<hbm>>) dst(%arg8 : memref<512xi32, #tpu.memory_space<vmem>>)
      tpu.yield
    }) : () -> ()
    %iota3A = tpu.iota {dimensions = array<i32: 0>} : vector<16xi32>
    %scan3A = arith.constant 0 : i32
    %scan3A_3 = arith.constant 0 : i32
    %scan3A_4 = arith.constant 2 : i32
    %scan3A_5 = arith.addi %scan3A_3, %scan3A_4 : i32
    %scan3A_6 = arith.constant 1 : i32
    scf.for %scan3A_8 = %scan3A_3 to %scan3A_5 step %scan3A_6  : i32 {
      %mul3A_9 = arith.constant 256 : i32
      %mul3A_10 = arith.muli %scan3A_8, %mul3A_9 : i32
      %add3A_11 = arith.addi %mul3A_2, %mul3A_10 : i32
      %dma_start3A = arith.constant 0 : i32
      %dma_start3A_12 = tpu.memref_slice %arg4[%add3A_11, %dma_start3A] : memref<16384x128xf32, #tpu.memory_space<hbm>> -> memref<256x128xf32, #tpu.memory_space<hbm>>
      %dma_start3A_13 = arith.constant 0 : i32
      %dma_start3A_14 = tpu.memref_slice %arg4[%add3A_11, %dma_start3A_13] : memref<16384x128xf32, #tpu.memory_space<hbm>> -> memref<256x128xf32, #tpu.memory_space<hbm>>
      tpu.enqueue_dma source(%dma_start3A_14 : memref<256x128xf32, #tpu.memory_space<hbm>>) target(%arg9 : memref<256x128xf32, #tpu.memory_space<vmem>>) target_semaphore(%arg12 : memref<!tpu.dma_semaphore, #tpu.memory_space<semaphore_mem>>)
      %add3A_15 = arith.addi %mul3A_2, %mul3A_10 : i32
      %dma_start3A_16 = arith.constant 0 : i32
      %dma_start3A_17 = tpu.memref_slice %arg5[%add3A_15, %dma_start3A_16] : memref<16384x128xf32, #tpu.memory_space<hbm>> -> memref<256x128xf32, #tpu.memory_space<hbm>>
      %dma_start3A_18 = arith.constant 0 : i32
      %dma_start3A_19 = tpu.memref_slice %arg5[%add3A_15, %dma_start3A_18] : memref<16384x128xf32, #tpu.memory_space<hbm>> -> memref<256x128xf32, #tpu.memory_space<hbm>>
      tpu.enqueue_dma source(%dma_start3A_19 : memref<256x128xf32, #tpu.memory_space<hbm>>) target(%arg10 : memref<256x128xf32, #tpu.memory_space<vmem>>) target_semaphore(%arg13 : memref<!tpu.dma_semaphore, #tpu.memory_space<semaphore_mem>>)
      %dma_wait3A = arith.constant 0 : i32
      %dma_wait3A_20 = tpu.memref_slice %arg4[%add3A_11, %dma_wait3A] : memref<16384x128xf32, #tpu.memory_space<hbm>> -> memref<256x128xf32, #tpu.memory_space<hbm>>
      %dma_wait3A_21 = arith.constant 0 : i32
      %dma_wait3A_22 = tpu.memref_slice %arg4[%add3A_11, %dma_wait3A_21] : memref<16384x128xf32, #tpu.memory_space<hbm>> -> memref<256x128xf32, #tpu.memory_space<hbm>>
      tpu.wait_dma2 semaphore(%arg12 : memref<!tpu.dma_semaphore, #tpu.memory_space<semaphore_mem>>) src(%dma_wait3A_22 : memref<256x128xf32, #tpu.memory_space<hbm>>) dst(%arg9 : memref<256x128xf32, #tpu.memory_space<vmem>>)
      %dma_wait3A_23 = arith.constant 0 : i32
      %dma_wait3A_24 = tpu.memref_slice %arg5[%add3A_15, %dma_wait3A_23] : memref<16384x128xf32, #tpu.memory_space<hbm>> -> memref<256x128xf32, #tpu.memory_space<hbm>>
      %dma_wait3A_25 = arith.constant 0 : i32
      %dma_wait3A_26 = tpu.memref_slice %arg5[%add3A_15, %dma_wait3A_25] : memref<16384x128xf32, #tpu.memory_space<hbm>> -> memref<256x128xf32, #tpu.memory_space<hbm>>
      tpu.wait_dma2 semaphore(%arg13 : memref<!tpu.dma_semaphore, #tpu.memory_space<semaphore_mem>>) src(%dma_wait3A_26 : memref<256x128xf32, #tpu.memory_space<hbm>>) dst(%arg10 : memref<256x128xf32, #tpu.memory_space<vmem>>)
      %scan3A_27 = arith.constant 0 : i32
      %scan3A_28 = arith.constant 0 : i32
      %scan3A_29 = arith.constant 16 : i32
      %scan3A_30 = arith.addi %scan3A_28, %scan3A_29 : i32
      %scan3A_31 = arith.constant 1 : i32
      scf.for %scan3A_33 = %scan3A_28 to %scan3A_30 step %scan3A_31  : i32 {
        %mul3A_34 = arith.constant 16 : i32
        %mul3A_35 = arith.muli %scan3A_33, %mul3A_34 : i32
        %add3A_36 = vector.broadcast %mul3A_35 : i32 to vector<16xi32>
        %add3A_37 = arith.addi %add3A_36, %iota3A : vector<16xi32>
        %mul3A_38 = arith.constant 16 : i32
        %mul3A_39 = arith.muli %scan3A_33, %mul3A_38 : i32
        %add3A_40 = arith.addi %mul3A_10, %mul3A_39 : i32
        %get3A = arith.index_cast %add3A_40 : i32 to index
        %get3A_41 = tpu.vector_load %arg7[%get3A] {strides = array<i32>} : memref<512xi32, #tpu.memory_space<vmem>>, vector<16xi32>,
        %and3A = arith.constant 1 : i32
        %and3A_42 = vector.broadcast %and3A : i32 to vector<16xi32>
        %and3A_43 = arith.andi %get3A_41, %and3A_42 : vector<16xi32>
        %shift_left3A = arith.constant 6 : i32
        %shift_left3A_44 = vector.broadcast %shift_left3A : i32 to vector<16xi32>
        %shift_left3A_45 = arith.shli %and3A_43, %shift_left3A_44 : vector<16xi32>
        %mul3A_46 = arith.constant 16 : i32
        %mul3A_47 = arith.muli %scan3A_33, %mul3A_46 : i32
        %add3A_48 = arith.addi %mul3A_10, %mul3A_47 : i32
        %get3A_49 = arith.index_cast %add3A_48 : i32 to index
        %get3A_50 = tpu.vector_load %arg8[%get3A_49] {strides = array<i32>} : memref<512xi32, #tpu.memory_space<vmem>>, vector<16xi32>,
        %and3A_51 = arith.constant 1 : i32
        %and3A_52 = vector.broadcast %and3A_51 : i32 to vector<16xi32>
        %and3A_53 = arith.andi %get3A_50, %and3A_52 : vector<16xi32>
        %shift_left3A_54 = arith.constant 6 : i32
        %shift_left3A_55 = vector.broadcast %shift_left3A_54 : i32 to vector<16xi32>
        %shift_left3A_56 = arith.shli %and3A_53, %shift_left3A_55 : vector<16xi32>
        %broadcast_in_dim3A = arith.constant 0.000000e+00 : f32
        %broadcast_in_dim3A_57 = vector.broadcast %broadcast_in_dim3A : f32 to vector<16xf32>
        %add3A_58 = arith.constant 0 : i32
        %add3A_59 = vector.broadcast %add3A_58 : i32 to vector<16xi32>
        %add3A_60 = arith.addi %shift_left3A_45, %add3A_59 : vector<16xi32>
        %gather3A = tpu.vector_load_idx %arg9[%add3A_37, %add3A_60] : memref<256x128xf32, #tpu.memory_space<vmem>>[vector<16xi32>, vector<16xi32>], vector<16xf32>,
        %add3A_61 = arith.constant 0 : i32
        %add3A_62 = vector.broadcast %add3A_61 : i32 to vector<16xi32>
        %add3A_63 = arith.addi %shift_left3A_56, %add3A_62 : vector<16xi32>
        %gather3A_64 = tpu.vector_load_idx %arg10[%add3A_37, %add3A_63] : memref<256x128xf32, #tpu.memory_space<vmem>>[vector<16xi32>, vector<16xi32>], vector<16xf32>,
        %mul3A_65 = arith.mulf %gather3A, %gather3A_64 : vector<16xf32>
        %add3A_66 = arith.addf %broadcast_in_dim3A_57, %mul3A_65 : vector<16xf32>
        %add3A_67 = arith.constant 1 : i32
        %add3A_68 = vector.broadcast %add3A_67 : i32 to vector<16xi32>
        %add3A_69 = arith.addi %shift_left3A_45, %add3A_68 : vector<16xi32>
        %gather3A_70 = tpu.vector_load_idx %arg9[%add3A_37, %add3A_69] : memref<256x128xf32, #tpu.memory_space<vmem>>[vector<16xi32>, vector<16xi32>], vector<16xf32>,
        %add3A_71 = arith.constant 1 : i32
        %add3A_72 = vector.broadcast %add3A_71 : i32 to vector<16xi32>
        %add3A_73 = arith.addi %shift_left3A_56, %add3A_72 : vector<16xi32>
        %gather3A_74 = tpu.vector_load_idx %arg10[%add3A_37, %add3A_73] : memref<256x128xf32, #tpu.memory_space<vmem>>[vector<16xi32>, vector<16xi32>], vector<16xf32>,
        %mul3A_75 = arith.mulf %gather3A_70, %gather3A_74 : vector<16xf32>
        %add3A_76 = arith.addf %add3A_66, %mul3A_75 : vector<16xf32>
        %add3A_77 = arith.constant 2 : i32
        %add3A_78 = vector.broadcast %add3A_77 : i32 to vector<16xi32>
        %add3A_79 = arith.addi %shift_left3A_45, %add3A_78 : vector<16xi32>
        %gather3A_80 = tpu.vector_load_idx %arg9[%add3A_37, %add3A_79] : memref<256x128xf32, #tpu.memory_space<vmem>>[vector<16xi32>, vector<16xi32>], vector<16xf32>,
        %add3A_81 = arith.constant 2 : i32
        %add3A_82 = vector.broadcast %add3A_81 : i32 to vector<16xi32>
        %add3A_83 = arith.addi %shift_left3A_56, %add3A_82 : vector<16xi32>
        %gather3A_84 = tpu.vector_load_idx %arg10[%add3A_37, %add3A_83] : memref<256x128xf32, #tpu.memory_space<vmem>>[vector<16xi32>, vector<16xi32>], vector<16xf32>,
        %mul3A_85 = arith.mulf %gather3A_80, %gather3A_84 : vector<16xf32>
        %add3A_86 = arith.addf %add3A_76, %mul3A_85 : vector<16xf32>
        %add3A_87 = arith.constant 3 : i32
        %add3A_88 = vector.broadcast %add3A_87 : i32 to vector<16xi32>
        %add3A_89 = arith.addi %shift_left3A_45, %add3A_88 : vector<16xi32>
        %gather3A_90 = tpu.vector_load_idx %arg9[%add3A_37, %add3A_89] : memref<256x128xf32, #tpu.memory_space<vmem>>[vector<16xi32>, vector<16xi32>], vector<16xf32>,
        %add3A_91 = arith.constant 3 : i32
        %add3A_92 = vector.broadcast %add3A_91 : i32 to vector<16xi32>
        %add3A_93 = arith.addi %shift_left3A_56, %add3A_92 : vector<16xi32>
        %gather3A_94 = tpu.vector_load_idx %arg10[%add3A_37, %add3A_93] : memref<256x128xf32, #tpu.memory_space<vmem>>[vector<16xi32>, vector<16xi32>], vector<16xf32>,
        %mul3A_95 = arith.mulf %gather3A_90, %gather3A_94 : vector<16xf32>
        %add3A_96 = arith.addf %add3A_86, %mul3A_95 : vector<16xf32>
        %add3A_97 = arith.constant 4 : i32
        %add3A_98 = vector.broadcast %add3A_97 : i32 to vector<16xi32>
        %add3A_99 = arith.addi %shift_left3A_45, %add3A_98 : vector<16xi32>
        %gather3A_100 = tpu.vector_load_idx %arg9[%add3A_37, %add3A_99] : memref<256x128xf32, #tpu.memory_space<vmem>>[vector<16xi32>, vector<16xi32>], vector<16xf32>,
        %add3A_101 = arith.constant 4 : i32
        %add3A_102 = vector.broadcast %add3A_101 : i32 to vector<16xi32>
        %add3A_103 = arith.addi %shift_left3A_56, %add3A_102 : vector<16xi32>
        %gather3A_104 = tpu.vector_load_idx %arg10[%add3A_37, %add3A_103] : memref<256x128xf32, #tpu.memory_space<vmem>>[vector<16xi32>, vector<16xi32>], vector<16xf32>,
        %mul3A_105 = arith.mulf %gather3A_100, %gather3A_104 : vector<16xf32>
        %add3A_106 = arith.addf %add3A_96, %mul3A_105 : vector<16xf32>
        %add3A_107 = arith.constant 5 : i32
        %add3A_108 = vector.broadcast %add3A_107 : i32 to vector<16xi32>
        %add3A_109 = arith.addi %shift_left3A_45, %add3A_108 : vector<16xi32>
        %gather3A_110 = tpu.vector_load_idx %arg9[%add3A_37, %add3A_109] : memref<256x128xf32, #tpu.memory_space<vmem>>[vector<16xi32>, vector<16xi32>], vector<16xf32>,
        %add3A_111 = arith.constant 5 : i32
        %add3A_112 = vector.broadcast %add3A_111 : i32 to vector<16xi32>
        %add3A_113 = arith.addi %shift_left3A_56, %add3A_112 : vector<16xi32>
        %gather3A_114 = tpu.vector_load_idx %arg10[%add3A_37, %add3A_113] : memref<256x128xf32, #tpu.memory_space<vmem>>[vector<16xi32>, vector<16xi32>], vector<16xf32>,
        %mul3A_115 = arith.mulf %gather3A_110, %gather3A_114 : vector<16xf32>
        %add3A_116 = arith.addf %add3A_106, %mul3A_115 : vector<16xf32>
        %add3A_117 = arith.constant 6 : i32
        %add3A_118 = vector.broadcast %add3A_117 : i32 to vector<16xi32>
        %add3A_119 = arith.addi %shift_left3A_45, %add3A_118 : vector<16xi32>
        %gather3A_120 = tpu.vector_load_idx %arg9[%add3A_37, %add3A_119] : memref<256x128xf32, #tpu.memory_space<vmem>>[vector<16xi32>, vector<16xi32>], vector<16xf32>,
        %add3A_121 = arith.constant 6 : i32
        %add3A_122 = vector.broadcast %add3A_121 : i32 to vector<16xi32>
        %add3A_123 = arith.addi %shift_left3A_56, %add3A_122 : vector<16xi32>
        %gather3A_124 = tpu.vector_load_idx %arg10[%add3A_37, %add3A_123] : memref<256x128xf32, #tpu.memory_space<vmem>>[vector<16xi32>, vector<16xi32>], vector<16xf32>,
        %mul3A_125 = arith.mulf %gather3A_120, %gather3A_124 : vector<16xf32>
        %add3A_126 = arith.addf %add3A_116, %mul3A_125 : vector<16xf32>
        %add3A_127 = arith.constant 7 : i32
        %add3A_128 = vector.broadcast %add3A_127 : i32 to vector<16xi32>
        %add3A_129 = arith.addi %shift_left3A_45, %add3A_128 : vector<16xi32>
        %gather3A_130 = tpu.vector_load_idx %arg9[%add3A_37, %add3A_129] : memref<256x128xf32, #tpu.memory_space<vmem>>[vector<16xi32>, vector<16xi32>], vector<16xf32>,
        %add3A_131 = arith.constant 7 : i32
        %add3A_132 = vector.broadcast %add3A_131 : i32 to vector<16xi32>
        %add3A_133 = arith.addi %shift_left3A_56, %add3A_132 : vector<16xi32>
        %gather3A_134 = tpu.vector_load_idx %arg10[%add3A_37, %add3A_133] : memref<256x128xf32, #tpu.memory_space<vmem>>[vector<16xi32>, vector<16xi32>], vector<16xf32>,
        %mul3A_135 = arith.mulf %gather3A_130, %gather3A_134 : vector<16xf32>
        %add3A_136 = arith.addf %add3A_126, %mul3A_135 : vector<16xf32>
        %add3A_137 = arith.constant 8 : i32
        %add3A_138 = vector.broadcast %add3A_137 : i32 to vector<16xi32>
        %add3A_139 = arith.addi %shift_left3A_45, %add3A_138 : vector<16xi32>
        %gather3A_140 = tpu.vector_load_idx %arg9[%add3A_37, %add3A_139] : memref<256x128xf32, #tpu.memory_space<vmem>>[vector<16xi32>, vector<16xi32>], vector<16xf32>,
        %add3A_141 = arith.constant 8 : i32
        %add3A_142 = vector.broadcast %add3A_141 : i32 to vector<16xi32>
        %add3A_143 = arith.addi %shift_left3A_56, %add3A_142 : vector<16xi32>
        %gather3A_144 = tpu.vector_load_idx %arg10[%add3A_37, %add3A_143] : memref<256x128xf32, #tpu.memory_space<vmem>>[vector<16xi32>, vector<16xi32>], vector<16xf32>,
        %mul3A_145 = arith.mulf %gather3A_140, %gather3A_144 : vector<16xf32>
        %add3A_146 = arith.addf %add3A_136, %mul3A_145 : vector<16xf32>
        %add3A_147 = arith.constant 9 : i32
        %add3A_148 = vector.broadcast %add3A_147 : i32 to vector<16xi32>
        %add3A_149 = arith.addi %shift_left3A_45, %add3A_148 : vector<16xi32>
        %gather3A_150 = tpu.vector_load_idx %arg9[%add3A_37, %add3A_149] : memref<256x128xf32, #tpu.memory_space<vmem>>[vector<16xi32>, vector<16xi32>], vector<16xf32>,
        %add3A_151 = arith.constant 9 : i32
        %add3A_152 = vector.broadcast %add3A_151 : i32 to vector<16xi32>
        %add3A_153 = arith.addi %shift_left3A_56, %add3A_152 : vector<16xi32>
        %gather3A_154 = tpu.vector_load_idx %arg10[%add3A_37, %add3A_153] : memref<256x128xf32, #tpu.memory_space<vmem>>[vector<16xi32>, vector<16xi32>], vector<16xf32>,
        %mul3A_155 = arith.mulf %gather3A_150, %gather3A_154 : vector<16xf32>
        %add3A_156 = arith.addf %add3A_146, %mul3A_155 : vector<16xf32>
        %add3A_157 = arith.constant 10 : i32
        %add3A_158 = vector.broadcast %add3A_157 : i32 to vector<16xi32>
        %add3A_159 = arith.addi %shift_left3A_45, %add3A_158 : vector<16xi32>
        %gather3A_160 = tpu.vector_load_idx %arg9[%add3A_37, %add3A_159] : memref<256x128xf32, #tpu.memory_space<vmem>>[vector<16xi32>, vector<16xi32>], vector<16xf32>,
        %add3A_161 = arith.constant 10 : i32
        %add3A_162 = vector.broadcast %add3A_161 : i32 to vector<16xi32>
        %add3A_163 = arith.addi %shift_left3A_56, %add3A_162 : vector<16xi32>
        %gather3A_164 = tpu.vector_load_idx %arg10[%add3A_37, %add3A_163] : memref<256x128xf32, #tpu.memory_space<vmem>>[vector<16xi32>, vector<16xi32>], vector<16xf32>,
        %mul3A_165 = arith.mulf %gather3A_160, %gather3A_164 : vector<16xf32>
        %add3A_166 = arith.addf %add3A_156, %mul3A_165 : vector<16xf32>
        %add3A_167 = arith.constant 11 : i32
        %add3A_168 = vector.broadcast %add3A_167 : i32 to vector<16xi32>
        %add3A_169 = arith.addi %shift_left3A_45, %add3A_168 : vector<16xi32>
        %gather3A_170 = tpu.vector_load_idx %arg9[%add3A_37, %add3A_169] : memref<256x128xf32, #tpu.memory_space<vmem>>[vector<16xi32>, vector<16xi32>], vector<16xf32>,
        %add3A_171 = arith.constant 11 : i32
        %add3A_172 = vector.broadcast %add3A_171 : i32 to vector<16xi32>
        %add3A_173 = arith.addi %shift_left3A_56, %add3A_172 : vector<16xi32>
        %gather3A_174 = tpu.vector_load_idx %arg10[%add3A_37, %add3A_173] : memref<256x128xf32, #tpu.memory_space<vmem>>[vector<16xi32>, vector<16xi32>], vector<16xf32>,
        %mul3A_175 = arith.mulf %gather3A_170, %gather3A_174 : vector<16xf32>
        %add3A_176 = arith.addf %add3A_166, %mul3A_175 : vector<16xf32>
        %add3A_177 = arith.constant 12 : i32
        %add3A_178 = vector.broadcast %add3A_177 : i32 to vector<16xi32>
        %add3A_179 = arith.addi %shift_left3A_45, %add3A_178 : vector<16xi32>
        %gather3A_180 = tpu.vector_load_idx %arg9[%add3A_37, %add3A_179] : memref<256x128xf32, #tpu.memory_space<vmem>>[vector<16xi32>, vector<16xi32>], vector<16xf32>,
        %add3A_181 = arith.constant 12 : i32
        %add3A_182 = vector.broadcast %add3A_181 : i32 to vector<16xi32>
        %add3A_183 = arith.addi %shift_left3A_56, %add3A_182 : vector<16xi32>
        %gather3A_184 = tpu.vector_load_idx %arg10[%add3A_37, %add3A_183] : memref<256x128xf32, #tpu.memory_space<vmem>>[vector<16xi32>, vector<16xi32>], vector<16xf32>,
        %mul3A_185 = arith.mulf %gather3A_180, %gather3A_184 : vector<16xf32>
        %add3A_186 = arith.addf %add3A_176, %mul3A_185 : vector<16xf32>
        %add3A_187 = arith.constant 13 : i32
        %add3A_188 = vector.broadcast %add3A_187 : i32 to vector<16xi32>
        %add3A_189 = arith.addi %shift_left3A_45, %add3A_188 : vector<16xi32>
        %gather3A_190 = tpu.vector_load_idx %arg9[%add3A_37, %add3A_189] : memref<256x128xf32, #tpu.memory_space<vmem>>[vector<16xi32>, vector<16xi32>], vector<16xf32>,
        %add3A_191 = arith.constant 13 : i32
        %add3A_192 = vector.broadcast %add3A_191 : i32 to vector<16xi32>
        %add3A_193 = arith.addi %shift_left3A_56, %add3A_192 : vector<16xi32>
        %gather3A_194 = tpu.vector_load_idx %arg10[%add3A_37, %add3A_193] : memref<256x128xf32, #tpu.memory_space<vmem>>[vector<16xi32>, vector<16xi32>], vector<16xf32>,
        %mul3A_195 = arith.mulf %gather3A_190, %gather3A_194 : vector<16xf32>
        %add3A_196 = arith.addf %add3A_186, %mul3A_195 : vector<16xf32>
        %add3A_197 = arith.constant 14 : i32
        %add3A_198 = vector.broadcast %add3A_197 : i32 to vector<16xi32>
        %add3A_199 = arith.addi %shift_left3A_45, %add3A_198 : vector<16xi32>
        %gather3A_200 = tpu.vector_load_idx %arg9[%add3A_37, %add3A_199] : memref<256x128xf32, #tpu.memory_space<vmem>>[vector<16xi32>, vector<16xi32>], vector<16xf32>,
        %add3A_201 = arith.constant 14 : i32
        %add3A_202 = vector.broadcast %add3A_201 : i32 to vector<16xi32>
        %add3A_203 = arith.addi %shift_left3A_56, %add3A_202 : vector<16xi32>
        %gather3A_204 = tpu.vector_load_idx %arg10[%add3A_37, %add3A_203] : memref<256x128xf32, #tpu.memory_space<vmem>>[vector<16xi32>, vector<16xi32>], vector<16xf32>,
        %mul3A_205 = arith.mulf %gather3A_200, %gather3A_204 : vector<16xf32>
        %add3A_206 = arith.addf %add3A_196, %mul3A_205 : vector<16xf32>
        %add3A_207 = arith.constant 15 : i32
        %add3A_208 = vector.broadcast %add3A_207 : i32 to vector<16xi32>
        %add3A_209 = arith.addi %shift_left3A_45, %add3A_208 : vector<16xi32>
        %gather3A_210 = tpu.vector_load_idx %arg9[%add3A_37, %add3A_209] : memref<256x128xf32, #tpu.memory_space<vmem>>[vector<16xi32>, vector<16xi32>], vector<16xf32>,
        %add3A_211 = arith.constant 15 : i32
        %add3A_212 = vector.broadcast %add3A_211 : i32 to vector<16xi32>
        %add3A_213 = arith.addi %shift_left3A_56, %add3A_212 : vector<16xi32>
        %gather3A_214 = tpu.vector_load_idx %arg10[%add3A_37, %add3A_213] : memref<256x128xf32, #tpu.memory_space<vmem>>[vector<16xi32>, vector<16xi32>], vector<16xf32>,
        %mul3A_215 = arith.mulf %gather3A_210, %gather3A_214 : vector<16xf32>
        %add3A_216 = arith.addf %add3A_206, %mul3A_215 : vector<16xf32>
        %add3A_217 = arith.constant 16 : i32
        %add3A_218 = vector.broadcast %add3A_217 : i32 to vector<16xi32>
        %add3A_219 = arith.addi %shift_left3A_45, %add3A_218 : vector<16xi32>
        %gather3A_220 = tpu.vector_load_idx %arg9[%add3A_37, %add3A_219] : memref<256x128xf32, #tpu.memory_space<vmem>>[vector<16xi32>, vector<16xi32>], vector<16xf32>,
        %add3A_221 = arith.constant 16 : i32
        %add3A_222 = vector.broadcast %add3A_221 : i32 to vector<16xi32>
        %add3A_223 = arith.addi %shift_left3A_56, %add3A_222 : vector<16xi32>
        %gather3A_224 = tpu.vector_load_idx %arg10[%add3A_37, %add3A_223] : memref<256x128xf32, #tpu.memory_space<vmem>>[vector<16xi32>, vector<16xi32>], vector<16xf32>,
        %mul3A_225 = arith.mulf %gather3A_220, %gather3A_224 : vector<16xf32>
        %add3A_226 = arith.addf %add3A_216, %mul3A_225 : vector<16xf32>
        %add3A_227 = arith.constant 17 : i32
        %add3A_228 = vector.broadcast %add3A_227 : i32 to vector<16xi32>
        %add3A_229 = arith.addi %shift_left3A_45, %add3A_228 : vector<16xi32>
        %gather3A_230 = tpu.vector_load_idx %arg9[%add3A_37, %add3A_229] : memref<256x128xf32, #tpu.memory_space<vmem>>[vector<16xi32>, vector<16xi32>], vector<16xf32>,
        %add3A_231 = arith.constant 17 : i32
        %add3A_232 = vector.broadcast %add3A_231 : i32 to vector<16xi32>
        %add3A_233 = arith.addi %shift_left3A_56, %add3A_232 : vector<16xi32>
        %gather3A_234 = tpu.vector_load_idx %arg10[%add3A_37, %add3A_233] : memref<256x128xf32, #tpu.memory_space<vmem>>[vector<16xi32>, vector<16xi32>], vector<16xf32>,
        %mul3A_235 = arith.mulf %gather3A_230, %gather3A_234 : vector<16xf32>
        %add3A_236 = arith.addf %add3A_226, %mul3A_235 : vector<16xf32>
        %add3A_237 = arith.constant 18 : i32
        %add3A_238 = vector.broadcast %add3A_237 : i32 to vector<16xi32>
        %add3A_239 = arith.addi %shift_left3A_45, %add3A_238 : vector<16xi32>
        %gather3A_240 = tpu.vector_load_idx %arg9[%add3A_37, %add3A_239] : memref<256x128xf32, #tpu.memory_space<vmem>>[vector<16xi32>, vector<16xi32>], vector<16xf32>,
        %add3A_241 = arith.constant 18 : i32
        %add3A_242 = vector.broadcast %add3A_241 : i32 to vector<16xi32>
        %add3A_243 = arith.addi %shift_left3A_56, %add3A_242 : vector<16xi32>
        %gather3A_244 = tpu.vector_load_idx %arg10[%add3A_37, %add3A_243] : memref<256x128xf32, #tpu.memory_space<vmem>>[vector<16xi32>, vector<16xi32>], vector<16xf32>,
        %mul3A_245 = arith.mulf %gather3A_240, %gather3A_244 : vector<16xf32>
        %add3A_246 = arith.addf %add3A_236, %mul3A_245 : vector<16xf32>
        %add3A_247 = arith.constant 19 : i32
        %add3A_248 = vector.broadcast %add3A_247 : i32 to vector<16xi32>
        %add3A_249 = arith.addi %shift_left3A_45, %add3A_248 : vector<16xi32>
        %gather3A_250 = tpu.vector_load_idx %arg9[%add3A_37, %add3A_249] : memref<256x128xf32, #tpu.memory_space<vmem>>[vector<16xi32>, vector<16xi32>], vector<16xf32>,
        %add3A_251 = arith.constant 19 : i32
        %add3A_252 = vector.broadcast %add3A_251 : i32 to vector<16xi32>
        %add3A_253 = arith.addi %shift_left3A_56, %add3A_252 : vector<16xi32>
        %gather3A_254 = tpu.vector_load_idx %arg10[%add3A_37, %add3A_253] : memref<256x128xf32, #tpu.memory_space<vmem>>[vector<16xi32>, vector<16xi32>], vector<16xf32>,
        %mul3A_255 = arith.mulf %gather3A_250, %gather3A_254 : vector<16xf32>
        %add3A_256 = arith.addf %add3A_246, %mul3A_255 : vector<16xf32>
        %add3A_257 = arith.constant 20 : i32
        %add3A_258 = vector.broadcast %add3A_257 : i32 to vector<16xi32>
        %add3A_259 = arith.addi %shift_left3A_45, %add3A_258 : vector<16xi32>
        %gather3A_260 = tpu.vector_load_idx %arg9[%add3A_37, %add3A_259] : memref<256x128xf32, #tpu.memory_space<vmem>>[vector<16xi32>, vector<16xi32>], vector<16xf32>,
        %add3A_261 = arith.constant 20 : i32
        %add3A_262 = vector.broadcast %add3A_261 : i32 to vector<16xi32>
        %add3A_263 = arith.addi %shift_left3A_56, %add3A_262 : vector<16xi32>
        %gather3A_264 = tpu.vector_load_idx %arg10[%add3A_37, %add3A_263] : memref<256x128xf32, #tpu.memory_space<vmem>>[vector<16xi32>, vector<16xi32>], vector<16xf32>,
        %mul3A_265 = arith.mulf %gather3A_260, %gather3A_264 : vector<16xf32>
        %add3A_266 = arith.addf %add3A_256, %mul3A_265 : vector<16xf32>
        %add3A_267 = arith.constant 21 : i32
        %add3A_268 = vector.broadcast %add3A_267 : i32 to vector<16xi32>
        %add3A_269 = arith.addi %shift_left3A_45, %add3A_268 : vector<16xi32>
        %gather3A_270 = tpu.vector_load_idx %arg9[%add3A_37, %add3A_269] : memref<256x128xf32, #tpu.memory_space<vmem>>[vector<16xi32>, vector<16xi32>], vector<16xf32>,
        %add3A_271 = arith.constant 21 : i32
        %add3A_272 = vector.broadcast %add3A_271 : i32 to vector<16xi32>
        %add3A_273 = arith.addi %shift_left3A_56, %add3A_272 : vector<16xi32>
        %gather3A_274 = tpu.vector_load_idx %arg10[%add3A_37, %add3A_273] : memref<256x128xf32, #tpu.memory_space<vmem>>[vector<16xi32>, vector<16xi32>], vector<16xf32>,
        %mul3A_275 = arith.mulf %gather3A_270, %gather3A_274 : vector<16xf32>
        %add3A_276 = arith.addf %add3A_266, %mul3A_275 : vector<16xf32>
        %add3A_277 = arith.constant 22 : i32
        %add3A_278 = vector.broadcast %add3A_277 : i32 to vector<16xi32>
        %add3A_279 = arith.addi %shift_left3A_45, %add3A_278 : vector<16xi32>
        %gather3A_280 = tpu.vector_load_idx %arg9[%add3A_37, %add3A_279] : memref<256x128xf32, #tpu.memory_space<vmem>>[vector<16xi32>, vector<16xi32>], vector<16xf32>,
        %add3A_281 = arith.constant 22 : i32
        %add3A_282 = vector.broadcast %add3A_281 : i32 to vector<16xi32>
        %add3A_283 = arith.addi %shift_left3A_56, %add3A_282 : vector<16xi32>
        %gather3A_284 = tpu.vector_load_idx %arg10[%add3A_37, %add3A_283] : memref<256x128xf32, #tpu.memory_space<vmem>>[vector<16xi32>, vector<16xi32>], vector<16xf32>,
        %mul3A_285 = arith.mulf %gather3A_280, %gather3A_284 : vector<16xf32>
        %add3A_286 = arith.addf %add3A_276, %mul3A_285 : vector<16xf32>
        %add3A_287 = arith.constant 23 : i32
        %add3A_288 = vector.broadcast %add3A_287 : i32 to vector<16xi32>
        %add3A_289 = arith.addi %shift_left3A_45, %add3A_288 : vector<16xi32>
        %gather3A_290 = tpu.vector_load_idx %arg9[%add3A_37, %add3A_289] : memref<256x128xf32, #tpu.memory_space<vmem>>[vector<16xi32>, vector<16xi32>], vector<16xf32>,
        %add3A_291 = arith.constant 23 : i32
        %add3A_292 = vector.broadcast %add3A_291 : i32 to vector<16xi32>
        %add3A_293 = arith.addi %shift_left3A_56, %add3A_292 : vector<16xi32>
        %gather3A_294 = tpu.vector_load_idx %arg10[%add3A_37, %add3A_293] : memref<256x128xf32, #tpu.memory_space<vmem>>[vector<16xi32>, vector<16xi32>], vector<16xf32>,
        %mul3A_295 = arith.mulf %gather3A_290, %gather3A_294 : vector<16xf32>
        %add3A_296 = arith.addf %add3A_286, %mul3A_295 : vector<16xf32>
        %add3A_297 = arith.constant 24 : i32
        %add3A_298 = vector.broadcast %add3A_297 : i32 to vector<16xi32>
        %add3A_299 = arith.addi %shift_left3A_45, %add3A_298 : vector<16xi32>
        %gather3A_300 = tpu.vector_load_idx %arg9[%add3A_37, %add3A_299] : memref<256x128xf32, #tpu.memory_space<vmem>>[vector<16xi32>, vector<16xi32>], vector<16xf32>,
        %add3A_301 = arith.constant 24 : i32
        %add3A_302 = vector.broadcast %add3A_301 : i32 to vector<16xi32>
        %add3A_303 = arith.addi %shift_left3A_56, %add3A_302 : vector<16xi32>
        %gather3A_304 = tpu.vector_load_idx %arg10[%add3A_37, %add3A_303] : memref<256x128xf32, #tpu.memory_space<vmem>>[vector<16xi32>, vector<16xi32>], vector<16xf32>,
        %mul3A_305 = arith.mulf %gather3A_300, %gather3A_304 : vector<16xf32>
        %add3A_306 = arith.addf %add3A_296, %mul3A_305 : vector<16xf32>
        %add3A_307 = arith.constant 25 : i32
        %add3A_308 = vector.broadcast %add3A_307 : i32 to vector<16xi32>
        %add3A_309 = arith.addi %shift_left3A_45, %add3A_308 : vector<16xi32>
        %gather3A_310 = tpu.vector_load_idx %arg9[%add3A_37, %add3A_309] : memref<256x128xf32, #tpu.memory_space<vmem>>[vector<16xi32>, vector<16xi32>], vector<16xf32>,
        %add3A_311 = arith.constant 25 : i32
        %add3A_312 = vector.broadcast %add3A_311 : i32 to vector<16xi32>
        %add3A_313 = arith.addi %shift_left3A_56, %add3A_312 : vector<16xi32>
        %gather3A_314 = tpu.vector_load_idx %arg10[%add3A_37, %add3A_313] : memref<256x128xf32, #tpu.memory_space<vmem>>[vector<16xi32>, vector<16xi32>], vector<16xf32>,
        %mul3A_315 = arith.mulf %gather3A_310, %gather3A_314 : vector<16xf32>
        %add3A_316 = arith.addf %add3A_306, %mul3A_315 : vector<16xf32>
        %add3A_317 = arith.constant 26 : i32
        %add3A_318 = vector.broadcast %add3A_317 : i32 to vector<16xi32>
        %add3A_319 = arith.addi %shift_left3A_45, %add3A_318 : vector<16xi32>
        %gather3A_320 = tpu.vector_load_idx %arg9[%add3A_37, %add3A_319] : memref<256x128xf32, #tpu.memory_space<vmem>>[vector<16xi32>, vector<16xi32>], vector<16xf32>,
        %add3A_321 = arith.constant 26 : i32
        %add3A_322 = vector.broadcast %add3A_321 : i32 to vector<16xi32>
        %add3A_323 = arith.addi %shift_left3A_56, %add3A_322 : vector<16xi32>
        %gather3A_324 = tpu.vector_load_idx %arg10[%add3A_37, %add3A_323] : memref<256x128xf32, #tpu.memory_space<vmem>>[vector<16xi32>, vector<16xi32>], vector<16xf32>,
        %mul3A_325 = arith.mulf %gather3A_320, %gather3A_324 : vector<16xf32>
        %add3A_326 = arith.addf %add3A_316, %mul3A_325 : vector<16xf32>
        %add3A_327 = arith.constant 27 : i32
        %add3A_328 = vector.broadcast %add3A_327 : i32 to vector<16xi32>
        %add3A_329 = arith.addi %shift_left3A_45, %add3A_328 : vector<16xi32>
        %gather3A_330 = tpu.vector_load_idx %arg9[%add3A_37, %add3A_329] : memref<256x128xf32, #tpu.memory_space<vmem>>[vector<16xi32>, vector<16xi32>], vector<16xf32>,
        %add3A_331 = arith.constant 27 : i32
        %add3A_332 = vector.broadcast %add3A_331 : i32 to vector<16xi32>
        %add3A_333 = arith.addi %shift_left3A_56, %add3A_332 : vector<16xi32>
        %gather3A_334 = tpu.vector_load_idx %arg10[%add3A_37, %add3A_333] : memref<256x128xf32, #tpu.memory_space<vmem>>[vector<16xi32>, vector<16xi32>], vector<16xf32>,
        %mul3A_335 = arith.mulf %gather3A_330, %gather3A_334 : vector<16xf32>
        %add3A_336 = arith.addf %add3A_326, %mul3A_335 : vector<16xf32>
        %add3A_337 = arith.constant 28 : i32
        %add3A_338 = vector.broadcast %add3A_337 : i32 to vector<16xi32>
        %add3A_339 = arith.addi %shift_left3A_45, %add3A_338 : vector<16xi32>
        %gather3A_340 = tpu.vector_load_idx %arg9[%add3A_37, %add3A_339] : memref<256x128xf32, #tpu.memory_space<vmem>>[vector<16xi32>, vector<16xi32>], vector<16xf32>,
        %add3A_341 = arith.constant 28 : i32
        %add3A_342 = vector.broadcast %add3A_341 : i32 to vector<16xi32>
        %add3A_343 = arith.addi %shift_left3A_56, %add3A_342 : vector<16xi32>
        %gather3A_344 = tpu.vector_load_idx %arg10[%add3A_37, %add3A_343] : memref<256x128xf32, #tpu.memory_space<vmem>>[vector<16xi32>, vector<16xi32>], vector<16xf32>,
        %mul3A_345 = arith.mulf %gather3A_340, %gather3A_344 : vector<16xf32>
        %add3A_346 = arith.addf %add3A_336, %mul3A_345 : vector<16xf32>
        %add3A_347 = arith.constant 29 : i32
        %add3A_348 = vector.broadcast %add3A_347 : i32 to vector<16xi32>
        %add3A_349 = arith.addi %shift_left3A_45, %add3A_348 : vector<16xi32>
        %gather3A_350 = tpu.vector_load_idx %arg9[%add3A_37, %add3A_349] : memref<256x128xf32, #tpu.memory_space<vmem>>[vector<16xi32>, vector<16xi32>], vector<16xf32>,
        %add3A_351 = arith.constant 29 : i32
        %add3A_352 = vector.broadcast %add3A_351 : i32 to vector<16xi32>
        %add3A_353 = arith.addi %shift_left3A_56, %add3A_352 : vector<16xi32>
        %gather3A_354 = tpu.vector_load_idx %arg10[%add3A_37, %add3A_353] : memref<256x128xf32, #tpu.memory_space<vmem>>[vector<16xi32>, vector<16xi32>], vector<16xf32>,
        %mul3A_355 = arith.mulf %gather3A_350, %gather3A_354 : vector<16xf32>
        %add3A_356 = arith.addf %add3A_346, %mul3A_355 : vector<16xf32>
        %add3A_357 = arith.constant 30 : i32
        %add3A_358 = vector.broadcast %add3A_357 : i32 to vector<16xi32>
        %add3A_359 = arith.addi %shift_left3A_45, %add3A_358 : vector<16xi32>
        %gather3A_360 = tpu.vector_load_idx %arg9[%add3A_37, %add3A_359] : memref<256x128xf32, #tpu.memory_space<vmem>>[vector<16xi32>, vector<16xi32>], vector<16xf32>,
        %add3A_361 = arith.constant 30 : i32
        %add3A_362 = vector.broadcast %add3A_361 : i32 to vector<16xi32>
        %add3A_363 = arith.addi %shift_left3A_56, %add3A_362 : vector<16xi32>
        %gather3A_364 = tpu.vector_load_idx %arg10[%add3A_37, %add3A_363] : memref<256x128xf32, #tpu.memory_space<vmem>>[vector<16xi32>, vector<16xi32>], vector<16xf32>,
        %mul3A_365 = arith.mulf %gather3A_360, %gather3A_364 : vector<16xf32>
        %add3A_366 = arith.addf %add3A_356, %mul3A_365 : vector<16xf32>
        %add3A_367 = arith.constant 31 : i32
        %add3A_368 = vector.broadcast %add3A_367 : i32 to vector<16xi32>
        %add3A_369 = arith.addi %shift_left3A_45, %add3A_368 : vector<16xi32>
        %gather3A_370 = tpu.vector_load_idx %arg9[%add3A_37, %add3A_369] : memref<256x128xf32, #tpu.memory_space<vmem>>[vector<16xi32>, vector<16xi32>], vector<16xf32>,
        %add3A_371 = arith.constant 31 : i32
        %add3A_372 = vector.broadcast %add3A_371 : i32 to vector<16xi32>
        %add3A_373 = arith.addi %shift_left3A_56, %add3A_372 : vector<16xi32>
        %gather3A_374 = tpu.vector_load_idx %arg10[%add3A_37, %add3A_373] : memref<256x128xf32, #tpu.memory_space<vmem>>[vector<16xi32>, vector<16xi32>], vector<16xf32>,
        %mul3A_375 = arith.mulf %gather3A_370, %gather3A_374 : vector<16xf32>
        %add3A_376 = arith.addf %add3A_366, %mul3A_375 : vector<16xf32>
        %add3A_377 = arith.constant 32 : i32
        %add3A_378 = vector.broadcast %add3A_377 : i32 to vector<16xi32>
        %add3A_379 = arith.addi %shift_left3A_45, %add3A_378 : vector<16xi32>
        %gather3A_380 = tpu.vector_load_idx %arg9[%add3A_37, %add3A_379] : memref<256x128xf32, #tpu.memory_space<vmem>>[vector<16xi32>, vector<16xi32>], vector<16xf32>,
        %add3A_381 = arith.constant 32 : i32
        %add3A_382 = vector.broadcast %add3A_381 : i32 to vector<16xi32>
        %add3A_383 = arith.addi %shift_left3A_56, %add3A_382 : vector<16xi32>
        %gather3A_384 = tpu.vector_load_idx %arg10[%add3A_37, %add3A_383] : memref<256x128xf32, #tpu.memory_space<vmem>>[vector<16xi32>, vector<16xi32>], vector<16xf32>,
        %mul3A_385 = arith.mulf %gather3A_380, %gather3A_384 : vector<16xf32>
        %add3A_386 = arith.addf %add3A_376, %mul3A_385 : vector<16xf32>
        %add3A_387 = arith.constant 33 : i32
        %add3A_388 = vector.broadcast %add3A_387 : i32 to vector<16xi32>
        %add3A_389 = arith.addi %shift_left3A_45, %add3A_388 : vector<16xi32>
        %gather3A_390 = tpu.vector_load_idx %arg9[%add3A_37, %add3A_389] : memref<256x128xf32, #tpu.memory_space<vmem>>[vector<16xi32>, vector<16xi32>], vector<16xf32>,
        %add3A_391 = arith.constant 33 : i32
        %add3A_392 = vector.broadcast %add3A_391 : i32 to vector<16xi32>
        %add3A_393 = arith.addi %shift_left3A_56, %add3A_392 : vector<16xi32>
        %gather3A_394 = tpu.vector_load_idx %arg10[%add3A_37, %add3A_393] : memref<256x128xf32, #tpu.memory_space<vmem>>[vector<16xi32>, vector<16xi32>], vector<16xf32>,
        %mul3A_395 = arith.mulf %gather3A_390, %gather3A_394 : vector<16xf32>
        %add3A_396 = arith.addf %add3A_386, %mul3A_395 : vector<16xf32>
        %add3A_397 = arith.constant 34 : i32
        %add3A_398 = vector.broadcast %add3A_397 : i32 to vector<16xi32>
        %add3A_399 = arith.addi %shift_left3A_45, %add3A_398 : vector<16xi32>
        %gather3A_400 = tpu.vector_load_idx %arg9[%add3A_37, %add3A_399] : memref<256x128xf32, #tpu.memory_space<vmem>>[vector<16xi32>, vector<16xi32>], vector<16xf32>,
        %add3A_401 = arith.constant 34 : i32
        %add3A_402 = vector.broadcast %add3A_401 : i32 to vector<16xi32>
        %add3A_403 = arith.addi %shift_left3A_56, %add3A_402 : vector<16xi32>
        %gather3A_404 = tpu.vector_load_idx %arg10[%add3A_37, %add3A_403] : memref<256x128xf32, #tpu.memory_space<vmem>>[vector<16xi32>, vector<16xi32>], vector<16xf32>,
        %mul3A_405 = arith.mulf %gather3A_400, %gather3A_404 : vector<16xf32>
        %add3A_406 = arith.addf %add3A_396, %mul3A_405 : vector<16xf32>
        %add3A_407 = arith.constant 35 : i32
        %add3A_408 = vector.broadcast %add3A_407 : i32 to vector<16xi32>
        %add3A_409 = arith.addi %shift_left3A_45, %add3A_408 : vector<16xi32>
        %gather3A_410 = tpu.vector_load_idx %arg9[%add3A_37, %add3A_409] : memref<256x128xf32, #tpu.memory_space<vmem>>[vector<16xi32>, vector<16xi32>], vector<16xf32>,
        %add3A_411 = arith.constant 35 : i32
        %add3A_412 = vector.broadcast %add3A_411 : i32 to vector<16xi32>
        %add3A_413 = arith.addi %shift_left3A_56, %add3A_412 : vector<16xi32>
        %gather3A_414 = tpu.vector_load_idx %arg10[%add3A_37, %add3A_413] : memref<256x128xf32, #tpu.memory_space<vmem>>[vector<16xi32>, vector<16xi32>], vector<16xf32>,
        %mul3A_415 = arith.mulf %gather3A_410, %gather3A_414 : vector<16xf32>
        %add3A_416 = arith.addf %add3A_406, %mul3A_415 : vector<16xf32>
        %add3A_417 = arith.constant 36 : i32
        %add3A_418 = vector.broadcast %add3A_417 : i32 to vector<16xi32>
        %add3A_419 = arith.addi %shift_left3A_45, %add3A_418 : vector<16xi32>
        %gather3A_420 = tpu.vector_load_idx %arg9[%add3A_37, %add3A_419] : memref<256x128xf32, #tpu.memory_space<vmem>>[vector<16xi32>, vector<16xi32>], vector<16xf32>,
        %add3A_421 = arith.constant 36 : i32
        %add3A_422 = vector.broadcast %add3A_421 : i32 to vector<16xi32>
        %add3A_423 = arith.addi %shift_left3A_56, %add3A_422 : vector<16xi32>
        %gather3A_424 = tpu.vector_load_idx %arg10[%add3A_37, %add3A_423] : memref<256x128xf32, #tpu.memory_space<vmem>>[vector<16xi32>, vector<16xi32>], vector<16xf32>,
        %mul3A_425 = arith.mulf %gather3A_420, %gather3A_424 : vector<16xf32>
        %add3A_426 = arith.addf %add3A_416, %mul3A_425 : vector<16xf32>
        %add3A_427 = arith.constant 37 : i32
        %add3A_428 = vector.broadcast %add3A_427 : i32 to vector<16xi32>
        %add3A_429 = arith.addi %shift_left3A_45, %add3A_428 : vector<16xi32>
        %gather3A_430 = tpu.vector_load_idx %arg9[%add3A_37, %add3A_429] : memref<256x128xf32, #tpu.memory_space<vmem>>[vector<16xi32>, vector<16xi32>], vector<16xf32>,
        %add3A_431 = arith.constant 37 : i32
        %add3A_432 = vector.broadcast %add3A_431 : i32 to vector<16xi32>
        %add3A_433 = arith.addi %shift_left3A_56, %add3A_432 : vector<16xi32>
        %gather3A_434 = tpu.vector_load_idx %arg10[%add3A_37, %add3A_433] : memref<256x128xf32, #tpu.memory_space<vmem>>[vector<16xi32>, vector<16xi32>], vector<16xf32>,
        %mul3A_435 = arith.mulf %gather3A_430, %gather3A_434 : vector<16xf32>
        %add3A_436 = arith.addf %add3A_426, %mul3A_435 : vector<16xf32>
        %add3A_437 = arith.constant 38 : i32
        %add3A_438 = vector.broadcast %add3A_437 : i32 to vector<16xi32>
        %add3A_439 = arith.addi %shift_left3A_45, %add3A_438 : vector<16xi32>
        %gather3A_440 = tpu.vector_load_idx %arg9[%add3A_37, %add3A_439] : memref<256x128xf32, #tpu.memory_space<vmem>>[vector<16xi32>, vector<16xi32>], vector<16xf32>,
        %add3A_441 = arith.constant 38 : i32
        %add3A_442 = vector.broadcast %add3A_441 : i32 to vector<16xi32>
        %add3A_443 = arith.addi %shift_left3A_56, %add3A_442 : vector<16xi32>
        %gather3A_444 = tpu.vector_load_idx %arg10[%add3A_37, %add3A_443] : memref<256x128xf32, #tpu.memory_space<vmem>>[vector<16xi32>, vector<16xi32>], vector<16xf32>,
        %mul3A_445 = arith.mulf %gather3A_440, %gather3A_444 : vector<16xf32>
        %add3A_446 = arith.addf %add3A_436, %mul3A_445 : vector<16xf32>
        %add3A_447 = arith.constant 39 : i32
        %add3A_448 = vector.broadcast %add3A_447 : i32 to vector<16xi32>
        %add3A_449 = arith.addi %shift_left3A_45, %add3A_448 : vector<16xi32>
        %gather3A_450 = tpu.vector_load_idx %arg9[%add3A_37, %add3A_449] : memref<256x128xf32, #tpu.memory_space<vmem>>[vector<16xi32>, vector<16xi32>], vector<16xf32>,
        %add3A_451 = arith.constant 39 : i32
        %add3A_452 = vector.broadcast %add3A_451 : i32 to vector<16xi32>
        %add3A_453 = arith.addi %shift_left3A_56, %add3A_452 : vector<16xi32>
        %gather3A_454 = tpu.vector_load_idx %arg10[%add3A_37, %add3A_453] : memref<256x128xf32, #tpu.memory_space<vmem>>[vector<16xi32>, vector<16xi32>], vector<16xf32>,
        %mul3A_455 = arith.mulf %gather3A_450, %gather3A_454 : vector<16xf32>
        %add3A_456 = arith.addf %add3A_446, %mul3A_455 : vector<16xf32>
        %add3A_457 = arith.constant 40 : i32
        %add3A_458 = vector.broadcast %add3A_457 : i32 to vector<16xi32>
        %add3A_459 = arith.addi %shift_left3A_45, %add3A_458 : vector<16xi32>
        %gather3A_460 = tpu.vector_load_idx %arg9[%add3A_37, %add3A_459] : memref<256x128xf32, #tpu.memory_space<vmem>>[vector<16xi32>, vector<16xi32>], vector<16xf32>,
        %add3A_461 = arith.constant 40 : i32
        %add3A_462 = vector.broadcast %add3A_461 : i32 to vector<16xi32>
        %add3A_463 = arith.addi %shift_left3A_56, %add3A_462 : vector<16xi32>
        %gather3A_464 = tpu.vector_load_idx %arg10[%add3A_37, %add3A_463] : memref<256x128xf32, #tpu.memory_space<vmem>>[vector<16xi32>, vector<16xi32>], vector<16xf32>,
        %mul3A_465 = arith.mulf %gather3A_460, %gather3A_464 : vector<16xf32>
        %add3A_466 = arith.addf %add3A_456, %mul3A_465 : vector<16xf32>
        %add3A_467 = arith.constant 41 : i32
        %add3A_468 = vector.broadcast %add3A_467 : i32 to vector<16xi32>
        %add3A_469 = arith.addi %shift_left3A_45, %add3A_468 : vector<16xi32>
        %gather3A_470 = tpu.vector_load_idx %arg9[%add3A_37, %add3A_469] : memref<256x128xf32, #tpu.memory_space<vmem>>[vector<16xi32>, vector<16xi32>], vector<16xf32>,
        %add3A_471 = arith.constant 41 : i32
        %add3A_472 = vector.broadcast %add3A_471 : i32 to vector<16xi32>
        %add3A_473 = arith.addi %shift_left3A_56, %add3A_472 : vector<16xi32>
        %gather3A_474 = tpu.vector_load_idx %arg10[%add3A_37, %add3A_473] : memref<256x128xf32, #tpu.memory_space<vmem>>[vector<16xi32>, vector<16xi32>], vector<16xf32>,
        %mul3A_475 = arith.mulf %gather3A_470, %gather3A_474 : vector<16xf32>
        %add3A_476 = arith.addf %add3A_466, %mul3A_475 : vector<16xf32>
        %add3A_477 = arith.constant 42 : i32
        %add3A_478 = vector.broadcast %add3A_477 : i32 to vector<16xi32>
        %add3A_479 = arith.addi %shift_left3A_45, %add3A_478 : vector<16xi32>
        %gather3A_480 = tpu.vector_load_idx %arg9[%add3A_37, %add3A_479] : memref<256x128xf32, #tpu.memory_space<vmem>>[vector<16xi32>, vector<16xi32>], vector<16xf32>,
        %add3A_481 = arith.constant 42 : i32
        %add3A_482 = vector.broadcast %add3A_481 : i32 to vector<16xi32>
        %add3A_483 = arith.addi %shift_left3A_56, %add3A_482 : vector<16xi32>
        %gather3A_484 = tpu.vector_load_idx %arg10[%add3A_37, %add3A_483] : memref<256x128xf32, #tpu.memory_space<vmem>>[vector<16xi32>, vector<16xi32>], vector<16xf32>,
        %mul3A_485 = arith.mulf %gather3A_480, %gather3A_484 : vector<16xf32>
        %add3A_486 = arith.addf %add3A_476, %mul3A_485 : vector<16xf32>
        %add3A_487 = arith.constant 43 : i32
        %add3A_488 = vector.broadcast %add3A_487 : i32 to vector<16xi32>
        %add3A_489 = arith.addi %shift_left3A_45, %add3A_488 : vector<16xi32>
        %gather3A_490 = tpu.vector_load_idx %arg9[%add3A_37, %add3A_489] : memref<256x128xf32, #tpu.memory_space<vmem>>[vector<16xi32>, vector<16xi32>], vector<16xf32>,
        %add3A_491 = arith.constant 43 : i32
        %add3A_492 = vector.broadcast %add3A_491 : i32 to vector<16xi32>
        %add3A_493 = arith.addi %shift_left3A_56, %add3A_492 : vector<16xi32>
        %gather3A_494 = tpu.vector_load_idx %arg10[%add3A_37, %add3A_493] : memref<256x128xf32, #tpu.memory_space<vmem>>[vector<16xi32>, vector<16xi32>], vector<16xf32>,
        %mul3A_495 = arith.mulf %gather3A_490, %gather3A_494 : vector<16xf32>
        %add3A_496 = arith.addf %add3A_486, %mul3A_495 : vector<16xf32>
        %add3A_497 = arith.constant 44 : i32
        %add3A_498 = vector.broadcast %add3A_497 : i32 to vector<16xi32>
        %add3A_499 = arith.addi %shift_left3A_45, %add3A_498 : vector<16xi32>
        %gather3A_500 = tpu.vector_load_idx %arg9[%add3A_37, %add3A_499] : memref<256x128xf32, #tpu.memory_space<vmem>>[vector<16xi32>, vector<16xi32>], vector<16xf32>,
        %add3A_501 = arith.constant 44 : i32
        %add3A_502 = vector.broadcast %add3A_501 : i32 to vector<16xi32>
        %add3A_503 = arith.addi %shift_left3A_56, %add3A_502 : vector<16xi32>
        %gather3A_504 = tpu.vector_load_idx %arg10[%add3A_37, %add3A_503] : memref<256x128xf32, #tpu.memory_space<vmem>>[vector<16xi32>, vector<16xi32>], vector<16xf32>,
        %mul3A_505 = arith.mulf %gather3A_500, %gather3A_504 : vector<16xf32>
        %add3A_506 = arith.addf %add3A_496, %mul3A_505 : vector<16xf32>
        %add3A_507 = arith.constant 45 : i32
        %add3A_508 = vector.broadcast %add3A_507 : i32 to vector<16xi32>
        %add3A_509 = arith.addi %shift_left3A_45, %add3A_508 : vector<16xi32>
        %gather3A_510 = tpu.vector_load_idx %arg9[%add3A_37, %add3A_509] : memref<256x128xf32, #tpu.memory_space<vmem>>[vector<16xi32>, vector<16xi32>], vector<16xf32>,
        %add3A_511 = arith.constant 45 : i32
        %add3A_512 = vector.broadcast %add3A_511 : i32 to vector<16xi32>
        %add3A_513 = arith.addi %shift_left3A_56, %add3A_512 : vector<16xi32>
        %gather3A_514 = tpu.vector_load_idx %arg10[%add3A_37, %add3A_513] : memref<256x128xf32, #tpu.memory_space<vmem>>[vector<16xi32>, vector<16xi32>], vector<16xf32>,
        %mul3A_515 = arith.mulf %gather3A_510, %gather3A_514 : vector<16xf32>
        %add3A_516 = arith.addf %add3A_506, %mul3A_515 : vector<16xf32>
        %add3A_517 = arith.constant 46 : i32
        %add3A_518 = vector.broadcast %add3A_517 : i32 to vector<16xi32>
        %add3A_519 = arith.addi %shift_left3A_45, %add3A_518 : vector<16xi32>
        %gather3A_520 = tpu.vector_load_idx %arg9[%add3A_37, %add3A_519] : memref<256x128xf32, #tpu.memory_space<vmem>>[vector<16xi32>, vector<16xi32>], vector<16xf32>,
        %add3A_521 = arith.constant 46 : i32
        %add3A_522 = vector.broadcast %add3A_521 : i32 to vector<16xi32>
        %add3A_523 = arith.addi %shift_left3A_56, %add3A_522 : vector<16xi32>
        %gather3A_524 = tpu.vector_load_idx %arg10[%add3A_37, %add3A_523] : memref<256x128xf32, #tpu.memory_space<vmem>>[vector<16xi32>, vector<16xi32>], vector<16xf32>,
        %mul3A_525 = arith.mulf %gather3A_520, %gather3A_524 : vector<16xf32>
        %add3A_526 = arith.addf %add3A_516, %mul3A_525 : vector<16xf32>
        %add3A_527 = arith.constant 47 : i32
        %add3A_528 = vector.broadcast %add3A_527 : i32 to vector<16xi32>
        %add3A_529 = arith.addi %shift_left3A_45, %add3A_528 : vector<16xi32>
        %gather3A_530 = tpu.vector_load_idx %arg9[%add3A_37, %add3A_529] : memref<256x128xf32, #tpu.memory_space<vmem>>[vector<16xi32>, vector<16xi32>], vector<16xf32>,
        %add3A_531 = arith.constant 47 : i32
        %add3A_532 = vector.broadcast %add3A_531 : i32 to vector<16xi32>
        %add3A_533 = arith.addi %shift_left3A_56, %add3A_532 : vector<16xi32>
        %gather3A_534 = tpu.vector_load_idx %arg10[%add3A_37, %add3A_533] : memref<256x128xf32, #tpu.memory_space<vmem>>[vector<16xi32>, vector<16xi32>], vector<16xf32>,
        %mul3A_535 = arith.mulf %gather3A_530, %gather3A_534 : vector<16xf32>
        %add3A_536 = arith.addf %add3A_526, %mul3A_535 : vector<16xf32>
        %add3A_537 = arith.constant 48 : i32
        %add3A_538 = vector.broadcast %add3A_537 : i32 to vector<16xi32>
        %add3A_539 = arith.addi %shift_left3A_45, %add3A_538 : vector<16xi32>
        %gather3A_540 = tpu.vector_load_idx %arg9[%add3A_37, %add3A_539] : memref<256x128xf32, #tpu.memory_space<vmem>>[vector<16xi32>, vector<16xi32>], vector<16xf32>,
        %add3A_541 = arith.constant 48 : i32
        %add3A_542 = vector.broadcast %add3A_541 : i32 to vector<16xi32>
        %add3A_543 = arith.addi %shift_left3A_56, %add3A_542 : vector<16xi32>
        %gather3A_544 = tpu.vector_load_idx %arg10[%add3A_37, %add3A_543] : memref<256x128xf32, #tpu.memory_space<vmem>>[vector<16xi32>, vector<16xi32>], vector<16xf32>,
        %mul3A_545 = arith.mulf %gather3A_540, %gather3A_544 : vector<16xf32>
        %add3A_546 = arith.addf %add3A_536, %mul3A_545 : vector<16xf32>
        %add3A_547 = arith.constant 49 : i32
        %add3A_548 = vector.broadcast %add3A_547 : i32 to vector<16xi32>
        %add3A_549 = arith.addi %shift_left3A_45, %add3A_548 : vector<16xi32>
        %gather3A_550 = tpu.vector_load_idx %arg9[%add3A_37, %add3A_549] : memref<256x128xf32, #tpu.memory_space<vmem>>[vector<16xi32>, vector<16xi32>], vector<16xf32>,
        %add3A_551 = arith.constant 49 : i32
        %add3A_552 = vector.broadcast %add3A_551 : i32 to vector<16xi32>
        %add3A_553 = arith.addi %shift_left3A_56, %add3A_552 : vector<16xi32>
        %gather3A_554 = tpu.vector_load_idx %arg10[%add3A_37, %add3A_553] : memref<256x128xf32, #tpu.memory_space<vmem>>[vector<16xi32>, vector<16xi32>], vector<16xf32>,
        %mul3A_555 = arith.mulf %gather3A_550, %gather3A_554 : vector<16xf32>
        %add3A_556 = arith.addf %add3A_546, %mul3A_555 : vector<16xf32>
        %add3A_557 = arith.constant 50 : i32
        %add3A_558 = vector.broadcast %add3A_557 : i32 to vector<16xi32>
        %add3A_559 = arith.addi %shift_left3A_45, %add3A_558 : vector<16xi32>
        %gather3A_560 = tpu.vector_load_idx %arg9[%add3A_37, %add3A_559] : memref<256x128xf32, #tpu.memory_space<vmem>>[vector<16xi32>, vector<16xi32>], vector<16xf32>,
        %add3A_561 = arith.constant 50 : i32
        %add3A_562 = vector.broadcast %add3A_561 : i32 to vector<16xi32>
        %add3A_563 = arith.addi %shift_left3A_56, %add3A_562 : vector<16xi32>
        %gather3A_564 = tpu.vector_load_idx %arg10[%add3A_37, %add3A_563] : memref<256x128xf32, #tpu.memory_space<vmem>>[vector<16xi32>, vector<16xi32>], vector<16xf32>,
        %mul3A_565 = arith.mulf %gather3A_560, %gather3A_564 : vector<16xf32>
        %add3A_566 = arith.addf %add3A_556, %mul3A_565 : vector<16xf32>
        %add3A_567 = arith.constant 51 : i32
        %add3A_568 = vector.broadcast %add3A_567 : i32 to vector<16xi32>
        %add3A_569 = arith.addi %shift_left3A_45, %add3A_568 : vector<16xi32>
        %gather3A_570 = tpu.vector_load_idx %arg9[%add3A_37, %add3A_569] : memref<256x128xf32, #tpu.memory_space<vmem>>[vector<16xi32>, vector<16xi32>], vector<16xf32>,
        %add3A_571 = arith.constant 51 : i32
        %add3A_572 = vector.broadcast %add3A_571 : i32 to vector<16xi32>
        %add3A_573 = arith.addi %shift_left3A_56, %add3A_572 : vector<16xi32>
        %gather3A_574 = tpu.vector_load_idx %arg10[%add3A_37, %add3A_573] : memref<256x128xf32, #tpu.memory_space<vmem>>[vector<16xi32>, vector<16xi32>], vector<16xf32>,
        %mul3A_575 = arith.mulf %gather3A_570, %gather3A_574 : vector<16xf32>
        %add3A_576 = arith.addf %add3A_566, %mul3A_575 : vector<16xf32>
        %add3A_577 = arith.constant 52 : i32
        %add3A_578 = vector.broadcast %add3A_577 : i32 to vector<16xi32>
        %add3A_579 = arith.addi %shift_left3A_45, %add3A_578 : vector<16xi32>
        %gather3A_580 = tpu.vector_load_idx %arg9[%add3A_37, %add3A_579] : memref<256x128xf32, #tpu.memory_space<vmem>>[vector<16xi32>, vector<16xi32>], vector<16xf32>,
        %add3A_581 = arith.constant 52 : i32
        %add3A_582 = vector.broadcast %add3A_581 : i32 to vector<16xi32>
        %add3A_583 = arith.addi %shift_left3A_56, %add3A_582 : vector<16xi32>
        %gather3A_584 = tpu.vector_load_idx %arg10[%add3A_37, %add3A_583] : memref<256x128xf32, #tpu.memory_space<vmem>>[vector<16xi32>, vector<16xi32>], vector<16xf32>,
        %mul3A_585 = arith.mulf %gather3A_580, %gather3A_584 : vector<16xf32>
        %add3A_586 = arith.addf %add3A_576, %mul3A_585 : vector<16xf32>
        %add3A_587 = arith.constant 53 : i32
        %add3A_588 = vector.broadcast %add3A_587 : i32 to vector<16xi32>
        %add3A_589 = arith.addi %shift_left3A_45, %add3A_588 : vector<16xi32>
        %gather3A_590 = tpu.vector_load_idx %arg9[%add3A_37, %add3A_589] : memref<256x128xf32, #tpu.memory_space<vmem>>[vector<16xi32>, vector<16xi32>], vector<16xf32>,
        %add3A_591 = arith.constant 53 : i32
        %add3A_592 = vector.broadcast %add3A_591 : i32 to vector<16xi32>
        %add3A_593 = arith.addi %shift_left3A_56, %add3A_592 : vector<16xi32>
        %gather3A_594 = tpu.vector_load_idx %arg10[%add3A_37, %add3A_593] : memref<256x128xf32, #tpu.memory_space<vmem>>[vector<16xi32>, vector<16xi32>], vector<16xf32>,
        %mul3A_595 = arith.mulf %gather3A_590, %gather3A_594 : vector<16xf32>
        %add3A_596 = arith.addf %add3A_586, %mul3A_595 : vector<16xf32>
        %add3A_597 = arith.constant 54 : i32
        %add3A_598 = vector.broadcast %add3A_597 : i32 to vector<16xi32>
        %add3A_599 = arith.addi %shift_left3A_45, %add3A_598 : vector<16xi32>
        %gather3A_600 = tpu.vector_load_idx %arg9[%add3A_37, %add3A_599] : memref<256x128xf32, #tpu.memory_space<vmem>>[vector<16xi32>, vector<16xi32>], vector<16xf32>,
        %add3A_601 = arith.constant 54 : i32
        %add3A_602 = vector.broadcast %add3A_601 : i32 to vector<16xi32>
        %add3A_603 = arith.addi %shift_left3A_56, %add3A_602 : vector<16xi32>
        %gather3A_604 = tpu.vector_load_idx %arg10[%add3A_37, %add3A_603] : memref<256x128xf32, #tpu.memory_space<vmem>>[vector<16xi32>, vector<16xi32>], vector<16xf32>,
        %mul3A_605 = arith.mulf %gather3A_600, %gather3A_604 : vector<16xf32>
        %add3A_606 = arith.addf %add3A_596, %mul3A_605 : vector<16xf32>
        %add3A_607 = arith.constant 55 : i32
        %add3A_608 = vector.broadcast %add3A_607 : i32 to vector<16xi32>
        %add3A_609 = arith.addi %shift_left3A_45, %add3A_608 : vector<16xi32>
        %gather3A_610 = tpu.vector_load_idx %arg9[%add3A_37, %add3A_609] : memref<256x128xf32, #tpu.memory_space<vmem>>[vector<16xi32>, vector<16xi32>], vector<16xf32>,
        %add3A_611 = arith.constant 55 : i32
        %add3A_612 = vector.broadcast %add3A_611 : i32 to vector<16xi32>
        %add3A_613 = arith.addi %shift_left3A_56, %add3A_612 : vector<16xi32>
        %gather3A_614 = tpu.vector_load_idx %arg10[%add3A_37, %add3A_613] : memref<256x128xf32, #tpu.memory_space<vmem>>[vector<16xi32>, vector<16xi32>], vector<16xf32>,
        %mul3A_615 = arith.mulf %gather3A_610, %gather3A_614 : vector<16xf32>
        %add3A_616 = arith.addf %add3A_606, %mul3A_615 : vector<16xf32>
        %add3A_617 = arith.constant 56 : i32
        %add3A_618 = vector.broadcast %add3A_617 : i32 to vector<16xi32>
        %add3A_619 = arith.addi %shift_left3A_45, %add3A_618 : vector<16xi32>
        %gather3A_620 = tpu.vector_load_idx %arg9[%add3A_37, %add3A_619] : memref<256x128xf32, #tpu.memory_space<vmem>>[vector<16xi32>, vector<16xi32>], vector<16xf32>,
        %add3A_621 = arith.constant 56 : i32
        %add3A_622 = vector.broadcast %add3A_621 : i32 to vector<16xi32>
        %add3A_623 = arith.addi %shift_left3A_56, %add3A_622 : vector<16xi32>
        %gather3A_624 = tpu.vector_load_idx %arg10[%add3A_37, %add3A_623] : memref<256x128xf32, #tpu.memory_space<vmem>>[vector<16xi32>, vector<16xi32>], vector<16xf32>,
        %mul3A_625 = arith.mulf %gather3A_620, %gather3A_624 : vector<16xf32>
        %add3A_626 = arith.addf %add3A_616, %mul3A_625 : vector<16xf32>
        %add3A_627 = arith.constant 57 : i32
        %add3A_628 = vector.broadcast %add3A_627 : i32 to vector<16xi32>
        %add3A_629 = arith.addi %shift_left3A_45, %add3A_628 : vector<16xi32>
        %gather3A_630 = tpu.vector_load_idx %arg9[%add3A_37, %add3A_629] : memref<256x128xf32, #tpu.memory_space<vmem>>[vector<16xi32>, vector<16xi32>], vector<16xf32>,
        %add3A_631 = arith.constant 57 : i32
        %add3A_632 = vector.broadcast %add3A_631 : i32 to vector<16xi32>
        %add3A_633 = arith.addi %shift_left3A_56, %add3A_632 : vector<16xi32>
        %gather3A_634 = tpu.vector_load_idx %arg10[%add3A_37, %add3A_633] : memref<256x128xf32, #tpu.memory_space<vmem>>[vector<16xi32>, vector<16xi32>], vector<16xf32>,
        %mul3A_635 = arith.mulf %gather3A_630, %gather3A_634 : vector<16xf32>
        %add3A_636 = arith.addf %add3A_626, %mul3A_635 : vector<16xf32>
        %add3A_637 = arith.constant 58 : i32
        %add3A_638 = vector.broadcast %add3A_637 : i32 to vector<16xi32>
        %add3A_639 = arith.addi %shift_left3A_45, %add3A_638 : vector<16xi32>
        %gather3A_640 = tpu.vector_load_idx %arg9[%add3A_37, %add3A_639] : memref<256x128xf32, #tpu.memory_space<vmem>>[vector<16xi32>, vector<16xi32>], vector<16xf32>,
        %add3A_641 = arith.constant 58 : i32
        %add3A_642 = vector.broadcast %add3A_641 : i32 to vector<16xi32>
        %add3A_643 = arith.addi %shift_left3A_56, %add3A_642 : vector<16xi32>
        %gather3A_644 = tpu.vector_load_idx %arg10[%add3A_37, %add3A_643] : memref<256x128xf32, #tpu.memory_space<vmem>>[vector<16xi32>, vector<16xi32>], vector<16xf32>,
        %mul3A_645 = arith.mulf %gather3A_640, %gather3A_644 : vector<16xf32>
        %add3A_646 = arith.addf %add3A_636, %mul3A_645 : vector<16xf32>
        %add3A_647 = arith.constant 59 : i32
        %add3A_648 = vector.broadcast %add3A_647 : i32 to vector<16xi32>
        %add3A_649 = arith.addi %shift_left3A_45, %add3A_648 : vector<16xi32>
        %gather3A_650 = tpu.vector_load_idx %arg9[%add3A_37, %add3A_649] : memref<256x128xf32, #tpu.memory_space<vmem>>[vector<16xi32>, vector<16xi32>], vector<16xf32>,
        %add3A_651 = arith.constant 59 : i32
        %add3A_652 = vector.broadcast %add3A_651 : i32 to vector<16xi32>
        %add3A_653 = arith.addi %shift_left3A_56, %add3A_652 : vector<16xi32>
        %gather3A_654 = tpu.vector_load_idx %arg10[%add3A_37, %add3A_653] : memref<256x128xf32, #tpu.memory_space<vmem>>[vector<16xi32>, vector<16xi32>], vector<16xf32>,
        %mul3A_655 = arith.mulf %gather3A_650, %gather3A_654 : vector<16xf32>
        %add3A_656 = arith.addf %add3A_646, %mul3A_655 : vector<16xf32>
        %add3A_657 = arith.constant 60 : i32
        %add3A_658 = vector.broadcast %add3A_657 : i32 to vector<16xi32>
        %add3A_659 = arith.addi %shift_left3A_45, %add3A_658 : vector<16xi32>
        %gather3A_660 = tpu.vector_load_idx %arg9[%add3A_37, %add3A_659] : memref<256x128xf32, #tpu.memory_space<vmem>>[vector<16xi32>, vector<16xi32>], vector<16xf32>,
        %add3A_661 = arith.constant 60 : i32
        %add3A_662 = vector.broadcast %add3A_661 : i32 to vector<16xi32>
        %add3A_663 = arith.addi %shift_left3A_56, %add3A_662 : vector<16xi32>
        %gather3A_664 = tpu.vector_load_idx %arg10[%add3A_37, %add3A_663] : memref<256x128xf32, #tpu.memory_space<vmem>>[vector<16xi32>, vector<16xi32>], vector<16xf32>,
        %mul3A_665 = arith.mulf %gather3A_660, %gather3A_664 : vector<16xf32>
        %add3A_666 = arith.addf %add3A_656, %mul3A_665 : vector<16xf32>
        %add3A_667 = arith.constant 61 : i32
        %add3A_668 = vector.broadcast %add3A_667 : i32 to vector<16xi32>
        %add3A_669 = arith.addi %shift_left3A_45, %add3A_668 : vector<16xi32>
        %gather3A_670 = tpu.vector_load_idx %arg9[%add3A_37, %add3A_669] : memref<256x128xf32, #tpu.memory_space<vmem>>[vector<16xi32>, vector<16xi32>], vector<16xf32>,
        %add3A_671 = arith.constant 61 : i32
        %add3A_672 = vector.broadcast %add3A_671 : i32 to vector<16xi32>
        %add3A_673 = arith.addi %shift_left3A_56, %add3A_672 : vector<16xi32>
        %gather3A_674 = tpu.vector_load_idx %arg10[%add3A_37, %add3A_673] : memref<256x128xf32, #tpu.memory_space<vmem>>[vector<16xi32>, vector<16xi32>], vector<16xf32>,
        %mul3A_675 = arith.mulf %gather3A_670, %gather3A_674 : vector<16xf32>
        %add3A_676 = arith.addf %add3A_666, %mul3A_675 : vector<16xf32>
        %add3A_677 = arith.constant 62 : i32
        %add3A_678 = vector.broadcast %add3A_677 : i32 to vector<16xi32>
        %add3A_679 = arith.addi %shift_left3A_45, %add3A_678 : vector<16xi32>
        %gather3A_680 = tpu.vector_load_idx %arg9[%add3A_37, %add3A_679] : memref<256x128xf32, #tpu.memory_space<vmem>>[vector<16xi32>, vector<16xi32>], vector<16xf32>,
        %add3A_681 = arith.constant 62 : i32
        %add3A_682 = vector.broadcast %add3A_681 : i32 to vector<16xi32>
        %add3A_683 = arith.addi %shift_left3A_56, %add3A_682 : vector<16xi32>
        %gather3A_684 = tpu.vector_load_idx %arg10[%add3A_37, %add3A_683] : memref<256x128xf32, #tpu.memory_space<vmem>>[vector<16xi32>, vector<16xi32>], vector<16xf32>,
        %mul3A_685 = arith.mulf %gather3A_680, %gather3A_684 : vector<16xf32>
        %add3A_686 = arith.addf %add3A_676, %mul3A_685 : vector<16xf32>
        %add3A_687 = arith.constant 63 : i32
        %add3A_688 = vector.broadcast %add3A_687 : i32 to vector<16xi32>
        %add3A_689 = arith.addi %shift_left3A_45, %add3A_688 : vector<16xi32>
        %gather3A_690 = tpu.vector_load_idx %arg9[%add3A_37, %add3A_689] : memref<256x128xf32, #tpu.memory_space<vmem>>[vector<16xi32>, vector<16xi32>], vector<16xf32>,
        %add3A_691 = arith.constant 63 : i32
        %add3A_692 = vector.broadcast %add3A_691 : i32 to vector<16xi32>
        %add3A_693 = arith.addi %shift_left3A_56, %add3A_692 : vector<16xi32>
        %gather3A_694 = tpu.vector_load_idx %arg10[%add3A_37, %add3A_693] : memref<256x128xf32, #tpu.memory_space<vmem>>[vector<16xi32>, vector<16xi32>], vector<16xf32>,
        %mul3A_695 = arith.mulf %gather3A_690, %gather3A_694 : vector<16xf32>
        %add3A_696 = arith.addf %add3A_686, %mul3A_695 : vector<16xf32>
        %neg3A = arith.constant 0.000000e+00 : f32
        %neg3A_697 = vector.broadcast %neg3A : f32 to vector<16xf32>
        %neg3A_698 = arith.subf %neg3A_697, %add3A_696 : vector<16xf32>
        %exp3A = math.exp %neg3A_698 : vector<16xf32>
        %add3A_699 = arith.constant 1.000000e+00 : f32
        %add3A_700 = vector.broadcast %add3A_699 : f32 to vector<16xf32>
        %add3A_701 = arith.addf %add3A_700, %exp3A : vector<16xf32>
        %div3A = arith.constant 1.000000e+00 : f32
        %div3A_702 = vector.broadcast %div3A : f32 to vector<16xf32>
        %div3A_703 = arith.divf %div3A_702, %add3A_701 : vector<16xf32>
        %mul3A_704 = arith.constant 16 : i32
        %mul3A_705 = arith.muli %scan3A_33, %mul3A_704 : i32
        %add3A_706 = arith.addi %mul3A_10, %mul3A_705 : i32
        %swap3A = arith.index_cast %add3A_706 : i32 to index
        %swap3A_707 = tpu.vector_load %arg11[%swap3A] {strides = array<i32>} : memref<512xf32, #tpu.memory_space<vmem>>, vector<16xf32>,
        tpu.vector_store %arg11[%swap3A], %div3A_703 {strides = array<i32>} : memref<512xf32, #tpu.memory_space<vmem>>, vector<16xf32>,
      }
      %scan3A_32 = arith.constant 16 : i32
    }
    %scan3A_7 = arith.constant 2 : i32
    "tpu.region"() ({
      %run_scoped3A = tpu.sem_alloc : memref<!tpu.dma_semaphore, #tpu.memory_space<semaphore_mem>>
      %dma_start3A = tpu.memref_slice %arg6[%mul3A_2] : memref<16384xf32, #tpu.memory_space<hbm>> -> memref<512xf32, #tpu.memory_space<hbm>>
      %dma_start3A_8 = tpu.memref_slice %arg6[%mul3A_2] : memref<16384xf32, #tpu.memory_space<hbm>> -> memref<512xf32, #tpu.memory_space<hbm>>
      tpu.enqueue_dma source(%arg11 : memref<512xf32, #tpu.memory_space<vmem>>) target(%dma_start3A_8 : memref<512xf32, #tpu.memory_space<hbm>>) target_semaphore(%run_scoped3A : memref<!tpu.dma_semaphore, #tpu.memory_space<semaphore_mem>>)
      %dma_wait3A = tpu.memref_slice %arg6[%mul3A_2] : memref<16384xf32, #tpu.memory_space<hbm>> -> memref<512xf32, #tpu.memory_space<hbm>>
      %dma_wait3A_9 = tpu.memref_slice %arg6[%mul3A_2] : memref<16384xf32, #tpu.memory_space<hbm>> -> memref<512xf32, #tpu.memory_space<hbm>>
      tpu.wait_dma2 semaphore(%run_scoped3A : memref<!tpu.dma_semaphore, #tpu.memory_space<semaphore_mem>>) src(%arg11 : memref<512xf32, #tpu.memory_space<vmem>>) dst(%dma_wait3A_9 : memref<512xf32, #tpu.memory_space<hbm>>)
      tpu.yield
    }) : () -> ()
    return
  }
}

#map = affine_map<(d0, d1) -> (0)>
#map1 = affine_map<(d0, d1) -> (0, 0)>
module attributes {stable_mosaic.version = 14 : i64} {
  func.func @kg(%arg0: i32, %arg1: i32, %arg2: memref<16384xi32, #tpu.memory_space<hbm>>, %arg3: memref<500000x128xf32, #tpu.memory_space<hbm>>, %arg4: memref<16384x128xf32, #tpu.memory_space<hbm>>, %arg5: memref<512xi32, #tpu.memory_space<vmem>>, %arg6: memref<512xi32, #tpu.memory_space<vmem>>, %arg7: memref<256x128xf32, #tpu.memory_space<vmem>>, %arg8: memref<!tpu.dma_semaphore, #tpu.memory_space<semaphore_mem>>) attributes {dimension_semantics = [#tpu.dimension_semantics<core_parallel>, #tpu.dimension_semantics<subcore_parallel>], iteration_bounds = array<i64: 2, 16>, scalar_prefetch = 0 : i64, scratch_operands = 4 : i64, tpu.core_type = #tpu.core_type<sc_vector_subcore>, window_params = [{transform_indices = #map}, {transform_indices = #map1}, {transform_indices = #map1}]} {
    %mul3A = arith.constant 2 : i32
    %mul3A_0 = arith.muli %arg1, %mul3A : i32
    %add3A = arith.addi %mul3A_0, %arg0 : i32
    %mul3A_1 = arith.constant 512 : i32
    %mul3A_2 = arith.muli %add3A, %mul3A_1 : i32
    "tpu.region"() ({
      %run_scoped3A = tpu.sem_alloc : memref<!tpu.dma_semaphore, #tpu.memory_space<semaphore_mem>>
      %dma_start3A = tpu.memref_slice %arg2[%mul3A_2] : memref<16384xi32, #tpu.memory_space<hbm>> -> memref<512xi32, #tpu.memory_space<hbm>>
      %dma_start3A_14 = tpu.memref_slice %arg2[%mul3A_2] : memref<16384xi32, #tpu.memory_space<hbm>> -> memref<512xi32, #tpu.memory_space<hbm>>
      tpu.enqueue_dma source(%dma_start3A_14 : memref<512xi32, #tpu.memory_space<hbm>>) target(%arg5 : memref<512xi32, #tpu.memory_space<vmem>>) target_semaphore(%run_scoped3A : memref<!tpu.dma_semaphore, #tpu.memory_space<semaphore_mem>>)
      %dma_wait3A = tpu.memref_slice %arg2[%mul3A_2] : memref<16384xi32, #tpu.memory_space<hbm>> -> memref<512xi32, #tpu.memory_space<hbm>>
      %dma_wait3A_15 = tpu.memref_slice %arg2[%mul3A_2] : memref<16384xi32, #tpu.memory_space<hbm>> -> memref<512xi32, #tpu.memory_space<hbm>>
      tpu.wait_dma2 semaphore(%run_scoped3A : memref<!tpu.dma_semaphore, #tpu.memory_space<semaphore_mem>>) src(%dma_wait3A_15 : memref<512xi32, #tpu.memory_space<hbm>>) dst(%arg5 : memref<512xi32, #tpu.memory_space<vmem>>)
      tpu.yield
    }) : () -> ()
    %scan3A = arith.constant 0 : i32
    %scan3A_3 = arith.constant 0 : i32
    %scan3A_4 = arith.constant 32 : i32
    %scan3A_5 = arith.addi %scan3A_3, %scan3A_4 : i32
    %scan3A_6 = arith.constant 1 : i32
    scf.for %scan3A_14 = %scan3A_3 to %scan3A_5 step %scan3A_6  : i32 {
      %mul3A_15 = arith.constant 16 : i32
      %mul3A_16 = arith.muli %scan3A_14, %mul3A_15 : i32
      %get3A = arith.index_cast %mul3A_16 : i32 to index
      %get3A_17 = tpu.vector_load %arg5[%get3A] {strides = array<i32>} : memref<512xi32, #tpu.memory_space<vmem>>, vector<16xi32>,
      %shift_right_logical3A = arith.constant 1 : i32
      %shift_right_logical3A_18 = vector.broadcast %shift_right_logical3A : i32 to vector<16xi32>
      %shift_right_logical3A_19 = arith.shrui %get3A_17, %shift_right_logical3A_18 : vector<16xi32>
      %swap3A = arith.index_cast %mul3A_16 : i32 to index
      %swap3A_20 = tpu.vector_load %arg6[%swap3A] {strides = array<i32>} : memref<512xi32, #tpu.memory_space<vmem>>, vector<16xi32>,
      tpu.vector_store %arg6[%swap3A], %shift_right_logical3A_19 {strides = array<i32>} : memref<512xi32, #tpu.memory_space<vmem>>, vector<16xi32>,
    }
    %scan3A_7 = arith.constant 32 : i32
    %scan3A_8 = arith.constant 0 : i32
    %scan3A_9 = arith.constant 0 : i32
    %scan3A_10 = arith.constant 2 : i32
    %scan3A_11 = arith.addi %scan3A_9, %scan3A_10 : i32
    %scan3A_12 = arith.constant 1 : i32
    scf.for %scan3A_14 = %scan3A_9 to %scan3A_11 step %scan3A_12  : i32 {
      %mul3A_15 = arith.constant 256 : i32
      %mul3A_16 = arith.muli %scan3A_14, %mul3A_15 : i32
      %dma_start3A = tpu.memref_slice %arg6[%mul3A_16] : memref<512xi32, #tpu.memory_space<vmem>> -> memref<256xi32, #tpu.memory_space<vmem>>
      %dma_start3A_17 = arith.constant 0 : i32
      %dma_start3A_18 = arith.constant 0 : i32
      %dma_start3A_19 = tpu.memref_slice %arg3[%dma_start3A_17, %dma_start3A_18] : memref<500000x128xf32, #tpu.memory_space<hbm>> -> memref<500000x128xf32, #tpu.memory_space<hbm>>
      tpu.enqueue_indirect_dma source(%dma_start3A_19 : memref<500000x128xf32, #tpu.memory_space<hbm>>) target(%arg7 : memref<256x128xf32, #tpu.memory_space<vmem>>) offsets(%dma_start3A : memref<256xi32, #tpu.memory_space<vmem>>) semaphore(%arg8 : memref<!tpu.dma_semaphore, #tpu.memory_space<semaphore_mem>>)
      %dma_wait3A = tpu.memref_slice %arg6[%mul3A_16] : memref<512xi32, #tpu.memory_space<vmem>> -> memref<256xi32, #tpu.memory_space<vmem>>
      %dma_wait3A_20 = arith.constant 0 : i32
      %dma_wait3A_21 = arith.constant 0 : i32
      %dma_wait3A_22 = tpu.memref_slice %arg3[%dma_wait3A_20, %dma_wait3A_21] : memref<500000x128xf32, #tpu.memory_space<hbm>> -> memref<500000x128xf32, #tpu.memory_space<hbm>>
      tpu.wait_indirect_dma semaphore(%arg8 : memref<!tpu.dma_semaphore, #tpu.memory_space<semaphore_mem>>) src(%dma_wait3A_22 : memref<500000x128xf32, #tpu.memory_space<hbm>>) dst(%arg7 : memref<256x128xf32, #tpu.memory_space<vmem>>)
      %add3A_23 = arith.addi %mul3A_2, %mul3A_16 : i32
      "tpu.region"() ({
        %run_scoped3A = tpu.sem_alloc : memref<!tpu.dma_semaphore, #tpu.memory_space<semaphore_mem>>
        %dma_start3A_24 = arith.constant 0 : i32
        %dma_start3A_25 = tpu.memref_slice %arg4[%add3A_23, %dma_start3A_24] : memref<16384x128xf32, #tpu.memory_space<hbm>> -> memref<256x128xf32, #tpu.memory_space<hbm>>
        %dma_start3A_26 = arith.constant 0 : i32
        %dma_start3A_27 = tpu.memref_slice %arg4[%add3A_23, %dma_start3A_26] : memref<16384x128xf32, #tpu.memory_space<hbm>> -> memref<256x128xf32, #tpu.memory_space<hbm>>
        tpu.enqueue_dma source(%arg7 : memref<256x128xf32, #tpu.memory_space<vmem>>) target(%dma_start3A_27 : memref<256x128xf32, #tpu.memory_space<hbm>>) target_semaphore(%run_scoped3A : memref<!tpu.dma_semaphore, #tpu.memory_space<semaphore_mem>>)
        %dma_wait3A_28 = arith.constant 0 : i32
        %dma_wait3A_29 = tpu.memref_slice %arg4[%add3A_23, %dma_wait3A_28] : memref<16384x128xf32, #tpu.memory_space<hbm>> -> memref<256x128xf32, #tpu.memory_space<hbm>>
        %dma_wait3A_30 = arith.constant 0 : i32
        %dma_wait3A_31 = tpu.memref_slice %arg4[%add3A_23, %dma_wait3A_30] : memref<16384x128xf32, #tpu.memory_space<hbm>> -> memref<256x128xf32, #tpu.memory_space<hbm>>
        tpu.wait_dma2 semaphore(%run_scoped3A : memref<!tpu.dma_semaphore, #tpu.memory_space<semaphore_mem>>) src(%arg7 : memref<256x128xf32, #tpu.memory_space<vmem>>) dst(%dma_wait3A_31 : memref<256x128xf32, #tpu.memory_space<hbm>>)
        tpu.yield
      }) : () -> ()
    }
    %scan3A_13 = arith.constant 2 : i32
    return
  }
}

</mosaic_0001>

<sc_bundles>
// kernel: kernel.11.cloned.1.call-start
scs
__scs_entry_jumppad:
0x0: {  	(pc) =	sbr.rel $0x88, $3  }
0x1: {  	(tag) =	ssettag $0x0;
	lr =	simm.s32 $0x1  }
0x2: {  	[smem:$0x3F9D] =	sst lr;
	_ =	strace $0xD0000000  }
0x3: {  	_ = 	snop  }
0x4: {  	_ = 	snop  }
0x5: {  	_ = 	snop  }
0x6: {  	_ = 	snop  }
0x7: {  	_ = 	snop  }
__scs_overlays_trampoline_lowered:
0x8: {  	[smem:$0x3FAC] =	sst s0  }
0x9: {  	[smem:$0x3FAD] =	sst s1  }
0xa: {  	[smem:$0x3FAE] =	sst s2  }
0xb: {  	[smem:$0x3FAF] =	sst s3  }
0xc: {  	[smem:$0x3FB0] =	sst s4  }
0xd: {  	[smem:$0x3FB1] =	sst s5  }
0xe: {  	[smem:$0x3FB2] =	sst s6  }
0xf: {  	[smem:$0x3FB3] =	sst s7  }
0x10: {  	[smem:$0x3FB4] =	sst s8  }
0x11: {  	[smem:$0x3FB5] =	sst s9;
	s0 =	simm.s32 @!p0 $0x0  }
0x12: {  	s1 =	sld [smem:$0x3F9B];
	s0 =	simm.s32 @p0 $0x1  }
0x13: {  	[smem:$0x3FB6] =	sst s0;
	s0 =	simm.s32 @!p1 $0x0  }
0x14: {  	s2 =	sld [smem:$0x3F9A];
	s0 =	simm.s32 @p1 $0x1  }
0x15: {  	[smem:$0x3FB7] =	sst s0;
	s0 =	simm.s32 @!p2 $0x0  }
0x16: {  	s3 =	sld [smem:$0x3FDB];
	s0 =	simm.s32 @p2 $0x1  }
0x17: {  	s4 =	simm.s32 $0x1BF5;
	[smem:$0x3FB9] =	sst s0  }
0x18: {  	s0 =	sld [smem:$0x3F9C];
	_ =	swait.ge [sflag:s4], $0x0  }
0x19: {  	s7 =	sld [smem:$0x3F9D]  }
0x1a: {  	s8 =	sadd.s32 $0xFFFFE003, lr  }
0x1b: {  	s9 =	sadd.s32 $0xFFFFFEF7, lr;
	s5 =	simm.s32 $0xFFFFFFFF;
	p2 =	slt.u32 s8, $0xFFFFF086  }
0x1c: {  	p1 =	slt.u32 s9, $0xF7A;
	s5 =	simm.s32 @!p2 $0x0  }
0x1d: {  	s5 =	simm.s32 @p1 $0x1;
	p0 =	seq.s32 s7, s2  }
0x1e: {  	s7 =	smul.u32 @!p0 $0xF7A, s2;
	p2 =	seq.s32 @!p0 s5, $0x0  }
0x1f: {  	s9 =	smul.u32 $0xF7A, s1;
	s8 =	simm.s32 @!p0 $0x1BF5;
	p2 =	por !p2, p0  }
0x20: {  	[sflag:s8] =	ssyncset.s32 @!p0 $0xFFFFF086;
	s6 =	sadd.s32 @!p0 s3, s7;
	s7 =	simm.s32 @!p0 $0x108  }
0x21: {  	s3 =	sadd.s32 s3, s9;
	s6 =	sadd.s32 @!p0 $0x88, s6;
	s7 =	simm.s32 @p2 $0x1082  }
0x22: {  	[simem:s7], [sflag:s8] =	dma.local @!p0 [hbm:s6], $0xF7A  }
0x23: {  	s9 =	sor.u32 $0xD0000000, s2;
	s6 =	simm.s32 $0x108;
	_ =	swait.ge @!p0 [sflag:s8], $0x0  }
0x24: {  	s3 =	sadd.s32 $0x88, s3;
	s6 =	simm.s32 @!p1 $0x1082;
	[sflag:s4] =	ssyncset.s32 $0xFFFFF086  }
0x25: {  	[simem:s6], [sflag:s4] =	dma.local [hbm:s3], $0xF7A  }
0x26: {  	[smem:$0x3F9D] =	sst s1;
	(tag) =	ssettag s2;
	_ =	strace s9  }
0x27: {  	s1 =	sld [smem:$0x3FAD]  }
0x28: {  	s2 =	sld [smem:$0x3FAE]  }
0x29: {  	s4 =	sld [smem:$0x3FB0]  }
0x2a: {  	p0 =	seq.s32 s5, $0x0;
	s5 =	sld [smem:$0x3FB1]  }
0x2b: {  	s6 =	sld [smem:$0x3FB2]  }
0x2c: {  	s7 =	sld [smem:$0x3FB3]  }
0x2d: {  	s3 =	simm.s32 $0x108;
	s8 =	sld [smem:$0x3FB4]  }
0x2e: {  	s3 =	simm.s32 @!p0 $0x1082;
	s9 =	sld [smem:$0x3FB5]  }
0x2f: {  	lr =	sadd.s32 s0, s3;
	s0 =	sld [smem:$0x3FAC]  }
0x30: {  	s3 =	sld [smem:$0x3FAF]  }
0x31: {  	[smem:$0x3FB8] =	sst s10  }
0x32: {  	s10 =	sld [smem:$0x3FB6];
	_ =	sdelay $0x3  }
0x33: {  	p0 =	seq.s32 s10, $0x1;
	s10 =	sld [smem:$0x3FB8];
	_ =	sdelay $0x3  }
0x34: {  	[smem:$0x3FB8] =	sst s10  }
0x35: {  	s10 =	sld [smem:$0x3FB7];
	_ =	sdelay $0x3  }
0x36: {  	p1 =	seq.s32 s10, $0x1;
	s10 =	sld [smem:$0x3FB8];
	_ =	sdelay $0x3  }
0x37: {  	[smem:$0x3FB8] =	sst s10  }
0x38: {  	s10 =	sld [smem:$0x3FB9]  }
0x39: {  	_ = 	snop;
	(pc) =	sbr.ind lr, $3  }
0x3a: {  	_ = 	snop  }
0x3b: {  	_ = 	snop  }
0x3c: {  	p2 =	seq.s32 s10, $0x1;
	s10 =	sld [smem:$0x3FB8]  }
0x3d: {  	_ =	shalt  }
0x3e: {  	_ =	shalt  }
0x3f: {  	_ =	shalt  }
0x40: {  	_ =	shalt  }
0x41: {  	_ =	shalt  }
0x42: {  	_ =	shalt  }
0x43: {  	_ =	shalt  }
0x44: {  	_ =	shalt  }
0x45: {  	_ =	shalt  }
0x46: {  	_ =	shalt  }
0x47: {  	_ =	shalt  }
0x48: {  	_ =	shalt  }
0x49: {  	_ =	shalt  }
0x4a: {  	_ =	shalt  }
0x4b: {  	_ =	shalt  }
0x4c: {  	_ =	shalt  }
0x4d: {  	_ =	shalt  }
0x4e: {  	_ =	shalt  }
0x4f: {  	_ =	shalt  }
0x50: {  	_ =	shalt  }
0x51: {  	_ =	shalt  }
0x52: {  	_ =	shalt  }
0x53: {  	_ =	shalt  }
0x54: {  	_ =	shalt  }
0x55: {  	_ =	shalt  }
0x56: {  	_ =	shalt  }
0x57: {  	_ =	shalt  }
0x58: {  	_ =	shalt  }
0x59: {  	_ =	shalt  }
0x5a: {  	_ =	shalt  }
0x5b: {  	_ =	shalt  }
0x5c: {  	_ =	shalt  }
0x5d: {  	_ =	shalt  }
0x5e: {  	_ =	shalt  }
0x5f: {  	_ =	shalt  }
0x60: {  	_ =	shalt  }
0x61: {  	_ =	shalt  }
0x62: {  	_ =	shalt  }
0x63: {  	_ =	shalt  }
0x64: {  	_ =	shalt  }
0x65: {  	_ =	shalt  }
0x66: {  	_ =	shalt  }
0x67: {  	_ =	shalt  }
0x68: {  	_ =	shalt  }
0x69: {  	_ =	shalt  }
0x6a: {  	_ =	shalt  }
0x6b: {  	_ =	shalt  }
0x6c: {  	_ =	shalt  }
0x6d: {  	_ =	shalt  }
0x6e: {  	_ =	shalt  }
0x6f: {  	_ =	shalt  }
0x70: {  	_ =	shalt  }
0x71: {  	_ =	shalt  }
0x72: {  	_ =	shalt  }
0x73: {  	_ =	shalt  }
0x74: {  	_ =	shalt  }
0x75: {  	_ =	shalt  }
0x76: {  	_ =	shalt  }
0x77: {  	_ =	shalt  }
0x78: {  	_ =	shalt  }
0x79: {  	_ =	shalt  }
0x7a: {  	_ =	shalt  }
0x7b: {  	_ =	shalt  }
0x7c: {  	_ =	shalt  }
0x7d: {  	_ =	shalt  }
0x7e: {  	_ =	shalt  }
0x7f: {  	_ =	shalt  }
0x80: {  	_ =	shalt  }
0x81: {  	_ =	shalt  }
0x82: {  	_ =	shalt  }
0x83: {  	_ =	shalt  }
0x84: {  	_ =	shalt  }
0x85: {  	_ =	shalt  }
0x86: {  	_ =	shalt  }
0x87: {  	_ =	shalt  }
.Lfunc_end0:
.L_simem_size_0:
called_computation.2_lowered:
.L_overlay_start_0:
0x88: {  	s2 =	sld [smem:$0x3FD9]  }
0x89: {  	s3 =	sld [smem:$0x3FFE];
	_ =	sdelay $0x1  }
0x8a: {  	s1 =	srdreg.scid  }
0x8b: {  	s0 =	sand.u32 $0x1, s1  }
0x8c: {  	s17 =	sshll.u32 s0, $0xA;
	s2 =	sadd.s32 s3, s2  }
0x8d: {  	s2 =	sadd.s32 s2, s17  }
0x8e: {  	[smem:$0x3FC4] =	sst s2  }
0x8f: {  	_ = 	snop  }
0x90: {  	s2 =	sld [smem:$0x3FC9]  }
0x91: {  	s18 =	sld [smem:$0x3FC8]  }
0x92: {  	s4 =	sld [smem:$0x3FD0];
	(tm) =	ssettm $0x1  }
0x93: {  	s5 =	sld [smem:$0x3FFB];
	_ =	sdelay $0x3  }
0x94: {  	_ =	strace s5  }
0x95: {  	s5 =	sld [smem:$0x3FFC];
	_ =	sdelay $0x3  }
0x96: {  	_ =	strace s5  }
0x97: {  	s5 =	sld [smem:$0x3FFD];
	_ =	sdelay $0x3  }
0x98: {  	_ =	strace s5  }
0x99: {  	_ =	strace $0x8FFFFFFF  }
0x9a: {  	s19 =	sld [smem:$0x3FDB];
	_ =	sdelay $0x1  }
0x9b: {  	s6 =	simm.s32 $_scs_section_size  }
0x9c: {  	s7 =	simm.s32 $_size__tile_overlayer_lowered;
	s8 =	simm.s32 $_tile_overlayer_lowered  }
0x9d: {  	s22 =	simm.s32 $0x1BFF;
	s21 =	sshll.u32 s8, $0x1;
	s5 =	sadd.s32 s6, s19  }
0x9e: {  	s9 =	simm.s32 $0x0;
	s20 =	sshll.u32 s7, $0x1;
	s7 =	sadd.s32 s21, s5  }
0x9f: {  	[timem:s9], [sflag:s22] =	dma.local [hbm:s7], s20  }
0xa0: {  	_ =	swait.ge [sflag:s22], s20  }
0xa1: {  	s6 =	ssub.s32 $0x0, s20;
	[sflag:s22] =	ssyncset.done $0x0  }
0xa2: {  	[sflag:s22] =	ssyncadd.s32 s6;
	_ =	sdelay $0x1  }
0xa3: {  	s23 =	simm.s32 $0x1B8B  }
0xa4: {  	_ =	swait.ge [sflag:s23], $0x1  }
0xa5: {  	[sflag:s23] =	ssyncset.done $0x0  }
0xa6: {  	s25 =	simm.s32 $0x1B8E;
	s24 =	sld [smem:$0x3FFE];
	[sflag:s23] =	ssyncadd.s32 $0xFFFFFFFF  }
0xa7: {  	s26 =	simm.s32 $execute0_lowered;
	[smem:$0x3FD2] =	sst s25  }
0xa8: {  	s7 =	sshll.u32 s26, $0x1;
	_ =	strace $0x8000004C;
	[dreg:$0x1] =	wrdreg $0xFFFFFFFF  }
0xa9: {  	s28 =	simm.s32 $_size_execute0_lowered;
	s5 =	sadd.s32 s5, s7;
	[dreg:$0x0] =	wrdreg $0x0  }
0xaa: {  	s7 =	sshll.u32 s28, $0x1;
	[dreg:$0x2] =	wrdreg s5  }
0xab: {  	[dreg:$0x3] =	wrdreg s7  }
0xac: {  	[dreg:$0x4] =	wrdreg $0xC0  }
0xad: {  	_ =	task [dreg:s9], $0x5FFFF  }
0xae: {  	[dreg:$0x1] =	wrdreg $0xFFFFFFFF  }
0xaf: {  	[dreg:$0x0] =	wrdreg $0x60  }
0xb0: {  	[dreg:$0x2] =	wrdreg s2  }
0xb1: {  	[dreg:$0x3] =	wrdreg s18  }
0xb2: {  	[dreg:$0x4] =	wrdreg s24  }
0xb3: {  	[dreg:$0x5] =	wrdreg s4  }
0xb4: {  	[dreg:$0x6] =	wrdreg $0x9  }
0xb5: {  	_ =	task.clear_ibuf [dreg:s9], $0x7FFFF;
	_ =	strace $0x9000004C  }
0xb6: {  	s29 =	simm.s32 $0x9;
	_ =	strace $0x8000004E  }
0xb7: {  	_ =	swait.ge [sflag:s29], $0x1  }
0xb8: {  	[sflag:s29] =	ssyncadd.s32 $0xFFFFFFFF  }
0xb9: {  	_ =	strace $0x9000004E  }
0xba: {  	_ =	sfence  }
0xbb: {  	s30 =	sld [smem:$0x0];
	_ =	sdelay $0x2  }
0xbc: {  	s31 =	sshll.u32 s1, $0xD;
	s1 =	sshrl.u32 s1, $0x2  }
0xbd: {  	s3 =	sand.u32 $0x4000, s31;
	s1 =	sadd.s32 s1, s30  }
0xbe: {  	s0 =	sor.u32 s3, s0;
	s1 =	sshll.u32 s1, $0x11  }
0xbf: {  	s0 =	sor.u32 s1, s0  }
0xc0: {  	s0 =	sadd.s32 $0x8F2B, s0  }
0xc1: {  	[sflag:s0] =	ssyncadd.remote.s32 $0x1  }
0xc2: {  	_ =	sfence.sel $0xFFFF  }
0xc3: {  	[dreg:$0x0] =	wrdreg $0xFFFFFFFF;
	(pc) =	sbr.abs _section_cstart, $3  }
0xc4: {  	[dreg:$0x1] =	wrdreg $0xFFFFFFFF  }
0xc5: {  	_ =	task.clear_ibuf [dreg:s9], $0x2FFFF;
	_ =	strace $0x9FFFFFFF  }
0xc6: {  	(tm) =	ssettm $0x7FFFFFFF  }
0xc7: {  	_ =	shalt  }
tec
execute0_lowered:
.L_overlay_start_1:
0x0: {  	(tag) =	ssettag $0x1  }
0x1: {  	s6 =	rddreg [dreg:$0x0]  }
0x2: {  	s7 =	rddreg [dreg:$0x1]  }
0x3: {  	s5 =	rddreg [dreg:$0x2]  }
0x4: {  	s8 =	rddreg [dreg:$0x3]  }
0x5: {  	s0 =	rddreg [dreg:$0x4]  }
0x6: {  	s2 =	simm.s32 $0x0;
	s3 =	srdreg.scid;
	s1 =	stileid.u32  }
0x7: {  	s12 =	simm.s32 $0x400;
	s13 =	simm.s32 $0x8400;
	s14 =	simm.s32 $0x1  }
0x8: {  	s15 =	simm.s32 $0x2;
	s16 =	simm.s32 $0x10400;
	s17 =	simm.s32 $0x0  }
0x9: {  	[smem:$0x7FF] =	sst s2;
	s3 =	sand.u32 $0x1, s3;
	s4 =	sshll.u32 s1, $0xA  }
0xa: {  	_ =	strace $0x8000004D;
	s9 =	ssub.s32 $0x2, s3;
	s10 =	sshll.u32 s3, $0x9  }
0xb: {  	s3 =	sadd.s32 $0xC00, s5;
	s11 =	sshrl.u32 s9, $0x1;
	s4 =	sor.u32 s10, s4  }
0xc: {  	s5 =	sadd.s32 $0x7E1E00, s5;
	s9 =	ssub.s32 s9, s11;
	s10 =	sshrl.u32 s4, $0x3  }
0xd: {  	v0 =	vlaneseq.u32;
	s11 =	simm.s32 $0x200;
	s6 =	sadd.s32 s6, s10;
	s7 =	sadd.s32 s7, s10  }
0xe: {  	v0 =	vmul.u32 $0x80, v0;
	s8 =	sadd.s32 s8, s10;
	s9 =	smax.u32 s9, $0x1;
	s10 =	simm.s32 $0x3  }
.LBB2_1:
0xf: {  	[tilespmem:s2], [sflag:$0x3] =	stream.linear.gather [hbm4b:s6+s2], $0x200, $0x38;
	[tilespmem:$0x10600] =	vst v63  }
0x10: {  	_ =	swait.ge [sflag:s10], $0x200  }
0x11: {  	[sflag:s10] =	ssyncset.done $0x0  }
0x12: {  	[sflag:s10] =	ssyncadd.s32 $0xFFFFFE00  }
0x13: {  	[tilespmem:s11], [sflag:$0x3] =	stream.linear.gather [hbm4b:s7+s2], $0x200, $0x38;
	[tilespmem:$0x10600] =	vst v63  }
0x14: {  	_ =	swait.ge [sflag:s10], $0x200  }
0x15: {  	[sflag:s10] =	ssyncset.done $0x0  }
0x16: {  	p1 =	por $0x1, $0x1;
	s18 =	simm.s32 $0x0;
	[sflag:s10] =	ssyncadd.s32 $0xFFFFFE00  }
.LBB2_2:
0x17: {  	s19 =	sor.u32 s4, s18  }
0x18: {  	s19 =	sshll.u32 s19, $0x4  }
0x19: {  	s21 =	simm.s32 $0x0;
	s20 =	sadd.s32 s3, s19  }
0x1a: {  	[tilespmem:s12], [sflag:$0x1] =	stream.linear.gather [hbm4b:s20+s21], $0x8000, $0x38;
	[tilespmem:$0x10600] =	vst v63  }
0x1b: {  	s19 =	sadd.s32 s5, s19  }
0x1c: {  	[tilespmem:s13], [sflag:$0x2] =	stream.linear.gather [hbm4b:s19+s21], $0x8000, $0x38;
	[tilespmem:$0x10600] =	vst v63  }
0x1d: {  	_ =	swait.ge [sflag:s14], $0x8000  }
0x1e: {  	[sflag:s14] =	ssyncset.done $0x0  }
0x1f: {  	[sflag:s14] =	ssyncadd.s32 $0xFFFF8000  }
0x20: {  	_ =	swait.ge [sflag:s15], $0x8000  }
0x21: {  	s29 =	sshll.u32 s18, $0x2;
	[sflag:s15] =	ssyncset.done $0x0  }
0x22: {  	s30 =	sshra.s32 s29, $0x2;
	[sflag:s15] =	ssyncadd.s32 $0xFFFF8000  }
0x23: {  	s31 =	sadd.s32 $0x200, s30;
	v1 =	vld [tilespmem:s30+$0x0]  }
0x24: {  	v2 =	vld [tilespmem:s31+$0x0];
	_ =	sdelay $0x2  }
0x25: {  	v3 =	vmov s21  }
0x26: {  	v3 =	vshll.u32 v3, $0x7;
	v1 =	vshll.u32 v1, $0x6  }
0x27: {  	v3 =	vor.u32 v0, v3;
	v2 =	vshll.u32 v2, $0x6;
	v1 =	vand.u32 $0x40, v1  }
0x28: {  	v4 =	vand.u32 $0x40, v2;
	v2 =	vor.u32 v3, v1  }
0x29: {  	v1 =	vor.u32 v3, v4  }
0x2a: {  	v3 =	vor.u32 $0x1, v2  }
0x2b: {  	v4 =	vor.u32 $0x1, v1  }
0x2c: {  	v5 =	vor.u32 $0x2, v2  }
0x2d: {  	v7 =	vor.u32 $0x2, v1;
	v6 =	vld.idx.msk [tilespmem:v2+s12+$0x0], $0xffff  }
0x2e: {  	v9 =	vor.u32 $0x3, v2;
	v8 =	vld.idx.msk [tilespmem:v1+s13+$0x0], $0xffff  }
0x2f: {  	v10 =	vor.u32 $0x3, v1;
	v3 =	vld.idx.msk [tilespmem:v3+s12+$0x0], $0xffff  }
0x30: {  	v11 =	vor.u32 $0x4, v2;
	v4 =	vld.idx.msk [tilespmem:v4+s13+$0x0], $0xffff  }
0x31: {  	v12 =	vor.u32 $0x4, v1;
	v5 =	vld.idx.msk [tilespmem:v5+s12+$0x0], $0xffff  }
0x32: {  	v13 =	vor.u32 $0x5, v2;
	v7 =	vld.idx.msk [tilespmem:v7+s13+$0x0], $0xffff  }
0x33: {  	v14 =	vor.u32 $0x5, v1;
	v9 =	vld.idx.msk [tilespmem:v9+s12+$0x0], $0xffff;
	v6 =	vmul.f32 v8, v6  }
0x34: {  	v53 =	vor.u32 $0x6, v2;
	v52 =	vld.idx.msk [tilespmem:v10+s13+$0x0], $0xffff  }
0x35: {  	v15 =	vor.u32 $0x6, v1;
	v11 =	vld.idx.msk [tilespmem:v11+s12+$0x0], $0xffff;
	v3 =	vmul.f32 v4, v3;
	v6 =	vadd.f32 $0.0e+00, v6  }
0x36: {  	v55 =	vor.u32 $0x7, v2;
	v54 =	vld.idx.msk [tilespmem:v12+s13+$0x0], $0xffff  }
0x37: {  	v16 =	vor.u32 $0x7, v1;
	v13 =	vld.idx.msk [tilespmem:v13+s12+$0x0], $0xffff;
	v5 =	vmul.f32 v7, v5;
	v3 =	vadd.f32 v3, v6  }
0x38: {  	v58 =	vor.u32 $0x8, v1;
	v56 =	vld.idx.msk [tilespmem:v14+s13+$0x0], $0xffff  }
0x39: {  	v57 =	vor.u32 $0x8, v2;
	v10 =	vld.idx.msk [tilespmem:v53+s12+$0x0], $0xffff;
	v59 =	vmul.f32 v52, v9;
	v3 =	vadd.f32 v5, v3  }
0x3a: {  	v62 =	vor.u32 $0x9, v1;
	v60 =	vld.idx.msk [tilespmem:v15+s13+$0x0], $0xffff  }
0x3b: {  	v61 =	vor.u32 $0x9, v2;
	v12 =	vld.idx.msk [tilespmem:v55+s12+$0x0], $0xffff;
	v4 =	vmul.f32 v54, v11;
	v3 =	vadd.f32 v59, v3  }
0x3c: {  	v21 =	vor.u32 $0xA, v1;
	v63 =	vld.idx.msk [tilespmem:v16+s13+$0x0], $0xffff  }
0x3d: {  	v20 =	vor.u32 $0xA, v2;
	v23 =	vld.idx.msk [tilespmem:v58+s13+$0x0], $0xffff;
	v22 =	vmul.f32 v56, v13;
	v3 =	vadd.f32 v4, v3  }
0x3e: {  	v25 =	vor.u32 $0xB, v1;
	v7 =	vld.idx.msk [tilespmem:v57+s12+$0x0], $0xffff  }
0x3f: {  	v24 =	vor.u32 $0xB, v2;
	v27 =	vld.idx.msk [tilespmem:v62+s13+$0x0], $0xffff;
	v26 =	vmul.f32 v60, v10;
	v3 =	vadd.f32 v22, v3  }
0x40: {  	v29 =	vor.u32 $0xC, v1;
	v9 =	vld.idx.msk [tilespmem:v61+s12+$0x0], $0xffff  }
0x41: {  	v28 =	vor.u32 $0xC, v2;
	v31 =	vld.idx.msk [tilespmem:v21+s13+$0x0], $0xffff;
	v30 =	vmul.f32 v63, v12;
	v3 =	vadd.f32 v26, v3  }
0x42: {  	v33 =	vor.u32 $0xD, v1;
	v11 =	vld.idx.msk [tilespmem:v20+s12+$0x0], $0xffff  }
0x43: {  	v32 =	vor.u32 $0xD, v2;
	v35 =	vld.idx.msk [tilespmem:v25+s13+$0x0], $0xffff;
	v34 =	vmul.f32 v23, v7;
	v3 =	vadd.f32 v30, v3  }
0x44: {  	v37 =	vor.u32 $0xE, v1;
	v13 =	vld.idx.msk [tilespmem:v24+s12+$0x0], $0xffff  }
0x45: {  	v36 =	vor.u32 $0xE, v2;
	v39 =	vld.idx.msk [tilespmem:v29+s13+$0x0], $0xffff;
	v38 =	vmul.f32 v27, v9;
	v3 =	vadd.f32 v34, v3  }
0x46: {  	v41 =	vor.u32 $0xF, v1;
	v10 =	vld.idx.msk [tilespmem:v28+s12+$0x0], $0xffff  }
0x47: {  	v40 =	vor.u32 $0xF, v2;
	v43 =	vld.idx.msk [tilespmem:v33+s13+$0x0], $0xffff;
	v42 =	vmul.f32 v31, v11;
	v3 =	vadd.f32 v38, v3  }
0x48: {  	v45 =	vor.u32 $0x10, v1;
	v12 =	vld.idx.msk [tilespmem:v32+s12+$0x0], $0xffff  }
0x49: {  	v44 =	vor.u32 $0x10, v2;
	v47 =	vld.idx.msk [tilespmem:v37+s13+$0x0], $0xffff;
	v46 =	vmul.f32 v35, v13;
	v3 =	vadd.f32 v42, v3  }
0x4a: {  	v48 =	vor.u32 $0x11, v2;
	v7 =	vld.idx.msk [tilespmem:v36+s12+$0x0], $0xffff  }
0x4b: {  	v49 =	vor.u32 $0x11, v1;
	v51 =	vld.idx.msk [tilespmem:v41+s13+$0x0], $0xffff;
	v50 =	vmul.f32 v39, v10;
	v3 =	vadd.f32 v46, v3  }
0x4c: {  	v53 =	vor.u32 $0x12, v1;
	v9 =	vld.idx.msk [tilespmem:v40+s12+$0x0], $0xffff  }
0x4d: {  	v55 =	vld.idx.msk [tilespmem:v45+s13+$0x0], $0xffff;
	v52 =	vor.u32 $0x12, v2;
	v54 =	vmul.f32 v43, v12;
	v3 =	vadd.f32 v50, v3  }
0x4e: {  	v56 =	vor.u32 $0x13, v2;
	v11 =	vld.idx.msk [tilespmem:v44+s12+$0x0], $0xffff  }
0x4f: {  	v57 =	vor.u32 $0x13, v1;
	v13 =	vld.idx.msk [tilespmem:v48+s12+$0x0], $0xffff;
	v58 =	vmul.f32 v47, v7;
	v3 =	vadd.f32 v54, v3  }
0x50: {  	v61 =	vor.u32 $0x14, v1;
	v59 =	vld.idx.msk [tilespmem:v49+s13+$0x0], $0xffff  }
0x51: {  	v60 =	vor.u32 $0x14, v2;
	v63 =	vld.idx.msk [tilespmem:v53+s13+$0x0], $0xffff;
	v62 =	vmul.f32 v51, v9;
	v3 =	vadd.f32 v58, v3  }
0x52: {  	v21 =	vor.u32 $0x15, v1;
	v10 =	vld.idx.msk [tilespmem:v52+s12+$0x0], $0xffff  }
0x53: {  	v20 =	vor.u32 $0x15, v2;
	v12 =	vld.idx.msk [tilespmem:v56+s12+$0x0], $0xffff;
	v22 =	vmul.f32 v55, v11;
	v3 =	vadd.f32 v62, v3  }
0x54: {  	v25 =	vor.u32 $0x16, v1;
	v23 =	vld.idx.msk [tilespmem:v57+s13+$0x0], $0xffff  }
0x55: {  	v24 =	vor.u32 $0x16, v2;
	v27 =	vld.idx.msk [tilespmem:v61+s13+$0x0], $0xffff;
	v26 =	vmul.f32 v59, v13;
	v3 =	vadd.f32 v22, v3  }
0x56: {  	v29 =	vor.u32 $0x17, v1;
	v7 =	vld.idx.msk [tilespmem:v60+s12+$0x0], $0xffff  }
0x57: {  	v28 =	vor.u32 $0x17, v2;
	v31 =	vld.idx.msk [tilespmem:v21+s13+$0x0], $0xffff;
	v30 =	vmul.f32 v63, v10;
	v3 =	vadd.f32 v26, v3  }
0x58: {  	v33 =	vor.u32 $0x18, v1;
	v9 =	vld.idx.msk [tilespmem:v20+s12+$0x0], $0xffff  }
0x59: {  	v32 =	vor.u32 $0x18, v2;
	v35 =	vld.idx.msk [tilespmem:v25+s13+$0x0], $0xffff;
	v34 =	vmul.f32 v23, v12;
	v3 =	vadd.f32 v30, v3  }
0x5a: {  	v37 =	vor.u32 $0x19, v1;
	v11 =	vld.idx.msk [tilespmem:v24+s12+$0x0], $0xffff  }
0x5b: {  	v36 =	vor.u32 $0x19, v2;
	v39 =	vld.idx.msk [tilespmem:v29+s13+$0x0], $0xffff;
	v38 =	vmul.f32 v27, v7;
	v3 =	vadd.f32 v34, v3  }
0x5c: {  	v41 =	vor.u32 $0x1A, v1;
	v13 =	vld.idx.msk [tilespmem:v28+s12+$0x0], $0xffff  }
0x5d: {  	v40 =	vor.u32 $0x1A, v2;
	v43 =	vld.idx.msk [tilespmem:v33+s13+$0x0], $0xffff;
	v42 =	vmul.f32 v31, v9;
	v3 =	vadd.f32 v38, v3  }
0x5e: {  	v45 =	vor.u32 $0x1B, v1;
	v10 =	vld.idx.msk [tilespmem:v32+s12+$0x0], $0xffff  }
0x5f: {  	v44 =	vor.u32 $0x1B, v2;
	v47 =	vld.idx.msk [tilespmem:v37+s13+$0x0], $0xffff;
	v46 =	vmul.f32 v35, v11;
	v3 =	vadd.f32 v42, v3  }
0x60: {  	v49 =	vor.u32 $0x1C, v1;
	v12 =	vld.idx.msk [tilespmem:v36+s12+$0x0], $0xffff  }
0x61: {  	v48 =	vor.u32 $0x1C, v2;
	v51 =	vld.idx.msk [tilespmem:v41+s13+$0x0], $0xffff;
	v50 =	vmul.f32 v39, v13;
	v3 =	vadd.f32 v46, v3  }
0x62: {  	v53 =	vor.u32 $0x1D, v1;
	v7 =	vld.idx.msk [tilespmem:v40+s12+$0x0], $0xffff  }
0x63: {  	v52 =	vor.u32 $0x1D, v2;
	v55 =	vld.idx.msk [tilespmem:v45+s13+$0x0], $0xffff;
	v54 =	vmul.f32 v43, v10;
	v3 =	vadd.f32 v50, v3  }
0x64: {  	v57 =	vor.u32 $0x1E, v1;
	v9 =	vld.idx.msk [tilespmem:v44+s12+$0x0], $0xffff  }
0x65: {  	v56 =	vor.u32 $0x1E, v2;
	v59 =	vld.idx.msk [tilespmem:v49+s13+$0x0], $0xffff;
	v58 =	vmul.f32 v47, v12;
	v3 =	vadd.f32 v54, v3  }
0x66: {  	v61 =	vor.u32 $0x1F, v1;
	v11 =	vld.idx.msk [tilespmem:v48+s12+$0x0], $0xffff  }
0x67: {  	v60 =	vor.u32 $0x1F, v2;
	v63 =	vld.idx.msk [tilespmem:v53+s13+$0x0], $0xffff;
	v62 =	vmul.f32 v51, v7;
	v3 =	vadd.f32 v58, v3  }
0x68: {  	v21 =	vor.u32 $0x20, v1;
	v13 =	vld.idx.msk [tilespmem:v52+s12+$0x0], $0xffff  }
0x69: {  	v20 =	vor.u32 $0x20, v2;
	v23 =	vld.idx.msk [tilespmem:v57+s13+$0x0], $0xffff;
	v22 =	vmul.f32 v55, v9;
	v3 =	vadd.f32 v62, v3  }
0x6a: {  	v25 =	vor.u32 $0x21, v1;
	v10 =	vld.idx.msk [tilespmem:v56+s12+$0x0], $0xffff  }
0x6b: {  	v24 =	vor.u32 $0x21, v2;
	v27 =	vld.idx.msk [tilespmem:v61+s13+$0x0], $0xffff;
	v26 =	vmul.f32 v59, v11;
	v3 =	vadd.f32 v22, v3  }
0x6c: {  	v29 =	vor.u32 $0x22, v1;
	v12 =	vld.idx.msk [tilespmem:v60+s12+$0x0], $0xffff  }
0x6d: {  	v28 =	vor.u32 $0x22, v2;
	v31 =	vld.idx.msk [tilespmem:v21+s13+$0x0], $0xffff;
	v30 =	vmul.f32 v63, v13;
	v3 =	vadd.f32 v26, v3  }
0x6e: {  	v33 =	vor.u32 $0x23, v1;
	v7 =	vld.idx.msk [tilespmem:v20+s12+$0x0], $0xffff  }
0x6f: {  	v32 =	vor.u32 $0x23, v2;
	v35 =	vld.idx.msk [tilespmem:v25+s13+$0x0], $0xffff;
	v34 =	vmul.f32 v23, v10;
	v3 =	vadd.f32 v30, v3  }
0x70: {  	v37 =	vor.u32 $0x24, v1;
	v9 =	vld.idx.msk [tilespmem:v24+s12+$0x0], $0xffff  }
0x71: {  	v36 =	vor.u32 $0x24, v2;
	v39 =	vld.idx.msk [tilespmem:v29+s13+$0x0], $0xffff;
	v38 =	vmul.f32 v27, v12;
	v3 =	vadd.f32 v34, v3  }
0x72: {  	v41 =	vor.u32 $0x25, v1;
	v11 =	vld.idx.msk [tilespmem:v28+s12+$0x0], $0xffff  }
0x73: {  	v40 =	vor.u32 $0x25, v2;
	v43 =	vld.idx.msk [tilespmem:v33+s13+$0x0], $0xffff;
	v42 =	vmul.f32 v31, v7;
	v3 =	vadd.f32 v38, v3  }
0x74: {  	v45 =	vor.u32 $0x26, v1;
	v13 =	vld.idx.msk [tilespmem:v32+s12+$0x0], $0xffff  }
0x75: {  	v44 =	vor.u32 $0x26, v2;
	v47 =	vld.idx.msk [tilespmem:v37+s13+$0x0], $0xffff;
	v46 =	vmul.f32 v35, v9;
	v3 =	vadd.f32 v42, v3  }
0x76: {  	v49 =	vor.u32 $0x27, v1;
	v10 =	vld.idx.msk [tilespmem:v36+s12+$0x0], $0xffff  }
0x77: {  	v48 =	vor.u32 $0x27, v2;
	v51 =	vld.idx.msk [tilespmem:v41+s13+$0x0], $0xffff;
	v50 =	vmul.f32 v39, v11;
	v3 =	vadd.f32 v46, v3  }
0x78: {  	v53 =	vor.u32 $0x28, v1;
	v12 =	vld.idx.msk [tilespmem:v40+s12+$0x0], $0xffff  }
0x79: {  	v52 =	vor.u32 $0x28, v2;
	v55 =	vld.idx.msk [tilespmem:v45+s13+$0x0], $0xffff;
	v54 =	vmul.f32 v43, v13;
	v3 =	vadd.f32 v50, v3  }
0x7a: {  	v57 =	vor.u32 $0x29, v1;
	v7 =	vld.idx.msk [tilespmem:v44+s12+$0x0], $0xffff  }
0x7b: {  	v56 =	vor.u32 $0x29, v2;
	v59 =	vld.idx.msk [tilespmem:v49+s13+$0x0], $0xffff;
	v58 =	vmul.f32 v47, v10;
	v3 =	vadd.f32 v54, v3  }
0x7c: {  	v61 =	vor.u32 $0x2A, v1;
	v9 =	vld.idx.msk [tilespmem:v48+s12+$0x0], $0xffff  }
0x7d: {  	v60 =	vor.u32 $0x2A, v2;
	v63 =	vld.idx.msk [tilespmem:v53+s13+$0x0], $0xffff;
	v62 =	vmul.f32 v51, v12;
	v3 =	vadd.f32 v58, v3  }
0x7e: {  	v21 =	vor.u32 $0x2B, v1;
	v11 =	vld.idx.msk [tilespmem:v52+s12+$0x0], $0xffff  }
0x7f: {  	v20 =	vor.u32 $0x2B, v2;
	v23 =	vld.idx.msk [tilespmem:v57+s13+$0x0], $0xffff;
	v22 =	vmul.f32 v55, v7;
	v3 =	vadd.f32 v62, v3  }
0x80: {  	v25 =	vor.u32 $0x2C, v1;
	v13 =	vld.idx.msk [tilespmem:v56+s12+$0x0], $0xffff  }
0x81: {  	v24 =	vor.u32 $0x2C, v2;
	v27 =	vld.idx.msk [tilespmem:v61+s13+$0x0], $0xffff;
	v26 =	vmul.f32 v59, v9;
	v3 =	vadd.f32 v22, v3  }
0x82: {  	v29 =	vor.u32 $0x2D, v1;
	v10 =	vld.idx.msk [tilespmem:v60+s12+$0x0], $0xffff  }
0x83: {  	v28 =	vor.u32 $0x2D, v2;
	v31 =	vld.idx.msk [tilespmem:v21+s13+$0x0], $0xffff;
	v30 =	vmul.f32 v63, v11;
	v3 =	vadd.f32 v26, v3  }
0x84: {  	v33 =	vor.u32 $0x2E, v1;
	v12 =	vld.idx.msk [tilespmem:v20+s12+$0x0], $0xffff  }
0x85: {  	v32 =	vor.u32 $0x2E, v2;
	v35 =	vld.idx.msk [tilespmem:v25+s13+$0x0], $0xffff;
	v34 =	vmul.f32 v23, v13;
	v3 =	vadd.f32 v30, v3  }
0x86: {  	v37 =	vor.u32 $0x2F, v1;
	v7 =	vld.idx.msk [tilespmem:v24+s12+$0x0], $0xffff  }
0x87: {  	v36 =	vor.u32 $0x2F, v2;
	v39 =	vld.idx.msk [tilespmem:v29+s13+$0x0], $0xffff;
	v38 =	vmul.f32 v27, v10;
	v3 =	vadd.f32 v34, v3  }
0x88: {  	v41 =	vor.u32 $0x30, v1;
	v9 =	vld.idx.msk [tilespmem:v28+s12+$0x0], $0xffff  }
0x89: {  	v40 =	vor.u32 $0x30, v2;
	v43 =	vld.idx.msk [tilespmem:v33+s13+$0x0], $0xffff;
	v42 =	vmul.f32 v31, v12;
	v3 =	vadd.f32 v38, v3  }
0x8a: {  	v45 =	vor.u32 $0x31, v1;
	v11 =	vld.idx.msk [tilespmem:v32+s12+$0x0], $0xffff  }
0x8b: {  	v44 =	vor.u32 $0x31, v2;
	v47 =	vld.idx.msk [tilespmem:v37+s13+$0x0], $0xffff;
	v46 =	vmul.f32 v35, v7;
	v3 =	vadd.f32 v42, v3  }
0x8c: {  	v49 =	vor.u32 $0x32, v1;
	v13 =	vld.idx.msk [tilespmem:v36+s12+$0x0], $0xffff  }
0x8d: {  	v48 =	vor.u32 $0x32, v2;
	v51 =	vld.idx.msk [tilespmem:v41+s13+$0x0], $0xffff;
	v50 =	vmul.f32 v39, v9;
	v3 =	vadd.f32 v46, v3  }
0x8e: {  	v53 =	vor.u32 $0x33, v1;
	v10 =	vld.idx.msk [tilespmem:v40+s12+$0x0], $0xffff  }
0x8f: {  	v52 =	vor.u32 $0x33, v2;
	v55 =	vld.idx.msk [tilespmem:v45+s13+$0x0], $0xffff;
	v54 =	vmul.f32 v43, v11;
	v3 =	vadd.f32 v50, v3  }
0x90: {  	v57 =	vor.u32 $0x34, v1;
	v12 =	vld.idx.msk [tilespmem:v44+s12+$0x0], $0xffff  }
0x91: {  	v56 =	vor.u32 $0x34, v2;
	v59 =	vld.idx.msk [tilespmem:v49+s13+$0x0], $0xffff;
	v58 =	vmul.f32 v47, v13;
	v3 =	vadd.f32 v54, v3  }
0x92: {  	v61 =	vor.u32 $0x35, v1;
	v7 =	vld.idx.msk [tilespmem:v48+s12+$0x0], $0xffff  }
0x93: {  	v60 =	vor.u32 $0x35, v2;
	v63 =	vld.idx.msk [tilespmem:v53+s13+$0x0], $0xffff;
	v62 =	vmul.f32 v51, v10;
	v3 =	vadd.f32 v58, v3  }
0x94: {  	v21 =	vor.u32 $0x36, v1;
	v9 =	vld.idx.msk [tilespmem:v52+s12+$0x0], $0xffff  }
0x95: {  	v20 =	vor.u32 $0x36, v2;
	v23 =	vld.idx.msk [tilespmem:v57+s13+$0x0], $0xffff;
	v22 =	vmul.f32 v55, v12;
	v3 =	vadd.f32 v62, v3  }
0x96: {  	v25 =	vor.u32 $0x37, v1;
	v11 =	vld.idx.msk [tilespmem:v56+s12+$0x0], $0xffff  }
0x97: {  	v24 =	vor.u32 $0x37, v2;
	v27 =	vld.idx.msk [tilespmem:v61+s13+$0x0], $0xffff;
	v26 =	vmul.f32 v59, v7;
	v3 =	vadd.f32 v22, v3  }
0x98: {  	v29 =	vor.u32 $0x38, v1;
	v13 =	vld.idx.msk [tilespmem:v60+s12+$0x0], $0xffff  }
0x99: {  	v28 =	vor.u32 $0x38, v2;
	v31 =	vld.idx.msk [tilespmem:v21+s13+$0x0], $0xffff;
	v30 =	vmul.f32 v63, v9;
	v3 =	vadd.f32 v26, v3  }
0x9a: {  	v33 =	vor.u32 $0x39, v1;
	v10 =	vld.idx.msk [tilespmem:v20+s12+$0x0], $0xffff  }
0x9b: {  	v32 =	vor.u32 $0x39, v2;
	v35 =	vld.idx.msk [tilespmem:v25+s13+$0x0], $0xffff;
	v34 =	vmul.f32 v23, v11;
	v3 =	vadd.f32 v30, v3  }
0x9c: {  	v37 =	vor.u32 $0x3A, v1;
	v12 =	vld.idx.msk [tilespmem:v24+s12+$0x0], $0xffff  }
0x9d: {  	v36 =	vor.u32 $0x3A, v2;
	v39 =	vld.idx.msk [tilespmem:v29+s13+$0x0], $0xffff;
	v38 =	vmul.f32 v27, v13;
	v3 =	vadd.f32 v34, v3  }
0x9e: {  	v41 =	vor.u32 $0x3B, v1;
	v7 =	vld.idx.msk [tilespmem:v28+s12+$0x0], $0xffff  }
0x9f: {  	v40 =	vor.u32 $0x3B, v2;
	v43 =	vld.idx.msk [tilespmem:v33+s13+$0x0], $0xffff;
	v42 =	vmul.f32 v31, v10;
	v3 =	vadd.f32 v38, v3  }
0xa0: {  	v45 =	vor.u32 $0x3C, v1;
	v9 =	vld.idx.msk [tilespmem:v32+s12+$0x0], $0xffff  }
0xa1: {  	v44 =	vor.u32 $0x3C, v2;
	v47 =	vld.idx.msk [tilespmem:v37+s13+$0x0], $0xffff;
	v46 =	vmul.f32 v35, v12;
	v3 =	vadd.f32 v42, v3  }
0xa2: {  	v48 =	vor.u32 $0x3D, v2;
	v11 =	vld.idx.msk [tilespmem:v36+s12+$0x0], $0xffff  }
0xa3: {  	v49 =	vor.u32 $0x3D, v1;
	v51 =	vld.idx.msk [tilespmem:v41+s13+$0x0], $0xffff;
	v50 =	vmul.f32 v39, v7;
	v3 =	vadd.f32 v46, v3  }
0xa4: {  	v53 =	vor.u32 $0x3E, v1;
	v13 =	vld.idx.msk [tilespmem:v40+s12+$0x0], $0xffff  }
0xa5: {  	v52 =	vor.u32 $0x3E, v2;
	v55 =	vld.idx.msk [tilespmem:v45+s13+$0x0], $0xffff;
	v54 =	vmul.f32 v43, v9;
	v3 =	vadd.f32 v50, v3  }
0xa6: {  	v1 =	vor.u32 $0x3F, v1;
	v10 =	vld.idx.msk [tilespmem:v44+s12+$0x0], $0xffff  }
0xa7: {  	v2 =	vor.u32 $0x3F, v2;
	v56 =	vld.idx.msk [tilespmem:v48+s12+$0x0], $0xffff;
	v57 =	vmul.f32 v47, v11;
	v3 =	vadd.f32 v54, v3  }
0xa8: {  	v58 =	vld.idx.msk [tilespmem:v49+s13+$0x0], $0xffff  }
0xa9: {  	v60 =	vld.idx.msk [tilespmem:v53+s13+$0x0], $0xffff;
	v59 =	vmul.f32 v51, v13;
	v3 =	vadd.f32 v57, v3  }
0xaa: {  	v7 =	vld.idx.msk [tilespmem:v52+s12+$0x0], $0xffff  }
0xab: {  	v1 =	vld.idx.msk [tilespmem:v1+s13+$0x0], $0xffff;
	v61 =	vmul.f32 v55, v10;
	v3 =	vadd.f32 v59, v3  }
0xac: {  	v2 =	vld.idx.msk [tilespmem:v2+s12+$0x0], $0xffff  }
0xad: {  	v62 =	vmul.f32 v58, v56;
	v3 =	vadd.f32 v61, v3;
	_ =	sdelay $0x1  }
0xae: {  	v63 =	vmul.f32 v60, v7;
	v3 =	vadd.f32 v62, v3;
	_ =	sdelay $0x1  }
0xaf: {  	v1 =	vmul.f32 v1, v2;
	v3 =	vadd.f32 v63, v3;
	_ =	sdelay $0x1  }
0xb0: {  	v1 =	vadd.f32 v1, v3;
	_ =	sdelay $0x1  }
0xb1: {  	v1 =	vsub.f32 $0.0e+00, v1;
	_ =	sdelay $0x1  }
0xb2: {  	v1 =	vmul.f32 $1.442695020e+00, v1;
	_ =	sdelay $0x1  }
0xb3: {  	(erf) = vpow2.f32 v1;
	_ =	sdelay $0x8  }
0xb4: {  	v1 =	vpop (erf)  }
0xb5: {  	v1 =	vadd.f32 $1.000000000e+00, v1;
	_ =	sdelay $0x1  }
0xb6: {  	(erf) = vrcp.f32 v1;
	_ =	sdelay $0x8  }
0xb7: {  	s18 =	sadd.s32 $0x10400, s30;
	v1 =	vpop (erf)  }
0xb8: {  	s19 =	sadd.s32 $0x10, s30;
	[tilespmem:s18+$0x0] =	vst v1  }
0xb9: {  	s20 =	sadd.s32 $0x10, s31;
	v1 =	vld [tilespmem:s19+$0x0]  }
0xba: {  	p0 =	por p1, p1;
	s22 =	simm.s32 $0x20;
	s21 =	simm.s32 $0x10;
	v2 =	vld [tilespmem:s20+$0x0]  }
.LBB2_3:
0xbb: {  	p1 =	sne.s32 s22, $0xF0;
	_ =	sdelay $0x1  }
0xbc: {  	v3 =	vmov s21;
	s21 =	smov.u32 s22  }
0xbd: {  	v3 =	vshll.u32 v3, $0x7;
	v1 =	vshll.u32 v1, $0x6  }
0xbe: {  	v3 =	vor.u32 v0, v3;
	v1 =	vand.u32 $0x40, v1;
	v2 =	vshll.u32 v2, $0x6  }
0xbf: {  	v4 =	vand.u32 $0x40, v2;
	v2 =	vor.u32 v3, v1  }
0xc0: {  	v1 =	vor.u32 v3, v4  }
0xc1: {  	v3 =	vor.u32 $0x1, v2  }
0xc2: {  	v4 =	vor.u32 $0x1, v1  }
0xc3: {  	v5 =	vor.u32 $0x2, v2  }
0xc4: {  	v7 =	vor.u32 $0x2, v1;
	v6 =	vld.idx.msk [tilespmem:v2+s12+$0x0], $0xffff  }
0xc5: {  	v9 =	vor.u32 $0x3, v2;
	v8 =	vld.idx.msk [tilespmem:v1+s13+$0x0], $0xffff  }
0xc6: {  	v10 =	vor.u32 $0x3, v1;
	v3 =	vld.idx.msk [tilespmem:v3+s12+$0x0], $0xffff  }
0xc7: {  	v11 =	vor.u32 $0x4, v2;
	v4 =	vld.idx.msk [tilespmem:v4+s13+$0x0], $0xffff  }
0xc8: {  	v12 =	vor.u32 $0x4, v1;
	v5 =	vld.idx.msk [tilespmem:v5+s12+$0x0], $0xffff  }
0xc9: {  	v13 =	vor.u32 $0x5, v2;
	v7 =	vld.idx.msk [tilespmem:v7+s13+$0x0], $0xffff  }
0xca: {  	v14 =	vor.u32 $0x5, v1;
	v9 =	vld.idx.msk [tilespmem:v9+s12+$0x0], $0xffff  }
0xcb: {  	v6 =	vmul.f32 v8, v6;
	v8 =	vld.idx.msk [tilespmem:v10+s13+$0x0], $0xffff;
	v10 =	vor.u32 $0x6, v2  }
0xcc: {  	v15 =	vor.u32 $0x6, v1;
	v11 =	vld.idx.msk [tilespmem:v11+s12+$0x0], $0xffff  }
0xcd: {  	v6 =	vadd.f32 $0.0e+00, v6;
	v3 =	vmul.f32 v4, v3;
	v4 =	vld.idx.msk [tilespmem:v12+s13+$0x0], $0xffff;
	v12 =	vor.u32 $0x7, v2  }
0xce: {  	v16 =	vor.u32 $0x7, v1;
	v13 =	vld.idx.msk [tilespmem:v13+s12+$0x0], $0xffff  }
0xcf: {  	v3 =	vadd.f32 v3, v6;
	v5 =	vmul.f32 v7, v5;
	v7 =	vor.u32 $0x8, v2;
	v6 =	vld.idx.msk [tilespmem:v14+s13+$0x0], $0xffff  }
0xd0: {  	v14 =	vor.u32 $0x8, v1;
	v10 =	vld.idx.msk [tilespmem:v10+s12+$0x0], $0xffff  }
0xd1: {  	v3 =	vadd.f32 v5, v3;
	v5 =	vmul.f32 v8, v9;
	v9 =	vor.u32 $0x9, v2;
	v8 =	vld.idx.msk [tilespmem:v15+s13+$0x0], $0xffff  }
0xd2: {  	v15 =	vor.u32 $0x9, v1;
	v12 =	vld.idx.msk [tilespmem:v12+s12+$0x0], $0xffff  }
0xd3: {  	v3 =	vadd.f32 v5, v3;
	v4 =	vmul.f32 v4, v11;
	v11 =	vor.u32 $0xA, v2;
	v5 =	vld.idx.msk [tilespmem:v16+s13+$0x0], $0xffff  }
0xd4: {  	v16 =	vor.u32 $0xA, v1;
	v7 =	vld.idx.msk [tilespmem:v7+s12+$0x0], $0xffff  }
0xd5: {  	v3 =	vadd.f32 v4, v3;
	v4 =	vmul.f32 v6, v13;
	v13 =	vor.u32 $0xB, v2;
	v6 =	vld.idx.msk [tilespmem:v14+s13+$0x0], $0xffff  }
0xd6: {  	v14 =	vor.u32 $0xB, v1;
	v9 =	vld.idx.msk [tilespmem:v9+s12+$0x0], $0xffff  }
0xd7: {  	v3 =	vadd.f32 v4, v3;
	v4 =	vmul.f32 v8, v10;
	v10 =	vor.u32 $0xC, v2;
	v8 =	vld.idx.msk [tilespmem:v15+s13+$0x0], $0xffff  }
0xd8: {  	v15 =	vor.u32 $0xC, v1;
	v11 =	vld.idx.msk [tilespmem:v11+s12+$0x0], $0xffff  }
0xd9: {  	v3 =	vadd.f32 v4, v3;
	v4 =	vmul.f32 v5, v12;
	v12 =	vor.u32 $0xD, v2;
	v5 =	vld.idx.msk [tilespmem:v16+s13+$0x0], $0xffff  }
0xda: {  	v16 =	vor.u32 $0xD, v1;
	v13 =	vld.idx.msk [tilespmem:v13+s12+$0x0], $0xffff  }
0xdb: {  	v3 =	vadd.f32 v4, v3;
	v4 =	vmul.f32 v6, v7;
	v7 =	vor.u32 $0xE, v2;
	v6 =	vld.idx.msk [tilespmem:v14+s13+$0x0], $0xffff  }
0xdc: {  	v14 =	vor.u32 $0xE, v1;
	v10 =	vld.idx.msk [tilespmem:v10+s12+$0x0], $0xffff  }
0xdd: {  	v3 =	vadd.f32 v4, v3;
	v4 =	vmul.f32 v8, v9;
	v9 =	vor.u32 $0xF, v2;
	v8 =	vld.idx.msk [tilespmem:v15+s13+$0x0], $0xffff  }
0xde: {  	v15 =	vor.u32 $0xF, v1;
	v12 =	vld.idx.msk [tilespmem:v12+s12+$0x0], $0xffff  }
0xdf: {  	v3 =	vadd.f32 v4, v3;
	v4 =	vmul.f32 v5, v11;
	v11 =	vor.u32 $0x10, v2;
	v5 =	vld.idx.msk [tilespmem:v16+s13+$0x0], $0xffff  }
0xe0: {  	v16 =	vor.u32 $0x10, v1;
	v7 =	vld.idx.msk [tilespmem:v7+s12+$0x0], $0xffff  }
0xe1: {  	v3 =	vadd.f32 v4, v3;
	v4 =	vmul.f32 v6, v13;
	v13 =	vor.u32 $0x11, v2;
	v6 =	vld.idx.msk [tilespmem:v14+s13+$0x0], $0xffff  }
0xe2: {  	v14 =	vor.u32 $0x11, v1;
	v9 =	vld.idx.msk [tilespmem:v9+s12+$0x0], $0xffff  }
0xe3: {  	v3 =	vadd.f32 v4, v3;
	v4 =	vmul.f32 v8, v10;
	v10 =	vor.u32 $0x12, v2;
	v8 =	vld.idx.msk [tilespmem:v15+s13+$0x0], $0xffff  }
0xe4: {  	v15 =	vor.u32 $0x12, v1;
	v11 =	vld.idx.msk [tilespmem:v11+s12+$0x0], $0xffff  }
0xe5: {  	v3 =	vadd.f32 v4, v3;
	v4 =	vmul.f32 v5, v12;
	v12 =	vor.u32 $0x13, v2;
	v5 =	vld.idx.msk [tilespmem:v16+s13+$0x0], $0xffff  }
0xe6: {  	v16 =	vor.u32 $0x13, v1;
	v13 =	vld.idx.msk [tilespmem:v13+s12+$0x0], $0xffff  }
0xe7: {  	v3 =	vadd.f32 v4, v3;
	v4 =	vmul.f32 v6, v7;
	v7 =	vor.u32 $0x14, v2;
	v6 =	vld.idx.msk [tilespmem:v14+s13+$0x0], $0xffff  }
0xe8: {  	v14 =	vor.u32 $0x14, v1;
	v10 =	vld.idx.msk [tilespmem:v10+s12+$0x0], $0xffff  }
0xe9: {  	v3 =	vadd.f32 v4, v3;
	v4 =	vmul.f32 v8, v9;
	v9 =	vor.u32 $0x15, v2;
	v8 =	vld.idx.msk [tilespmem:v15+s13+$0x0], $0xffff  }
0xea: {  	v15 =	vor.u32 $0x15, v1;
	v12 =	vld.idx.msk [tilespmem:v12+s12+$0x0], $0xffff  }
0xeb: {  	v3 =	vadd.f32 v4, v3;
	v4 =	vmul.f32 v5, v11;
	v11 =	vor.u32 $0x16, v2;
	v5 =	vld.idx.msk [tilespmem:v16+s13+$0x0], $0xffff  }
0xec: {  	v16 =	vor.u32 $0x16, v1;
	v7 =	vld.idx.msk [tilespmem:v7+s12+$0x0], $0xffff  }
0xed: {  	v3 =	vadd.f32 v4, v3;
	v4 =	vmul.f32 v6, v13;
	v13 =	vor.u32 $0x17, v2;
	v6 =	vld.idx.msk [tilespmem:v14+s13+$0x0], $0xffff  }
0xee: {  	v14 =	vor.u32 $0x17, v1;
	v9 =	vld.idx.msk [tilespmem:v9+s12+$0x0], $0xffff  }
0xef: {  	v3 =	vadd.f32 v4, v3;
	v4 =	vmul.f32 v8, v10;
	v10 =	vor.u32 $0x18, v2;
	v8 =	vld.idx.msk [tilespmem:v15+s13+$0x0], $0xffff  }
0xf0: {  	v15 =	vor.u32 $0x18, v1;
	v11 =	vld.idx.msk [tilespmem:v11+s12+$0x0], $0xffff  }
0xf1: {  	v3 =	vadd.f32 v4, v3;
	v4 =	vmul.f32 v5, v12;
	v12 =	vor.u32 $0x19, v2;
	v5 =	vld.idx.msk [tilespmem:v16+s13+$0x0], $0xffff  }
0xf2: {  	v16 =	vor.u32 $0x19, v1;
	v13 =	vld.idx.msk [tilespmem:v13+s12+$0x0], $0xffff  }
0xf3: {  	v3 =	vadd.f32 v4, v3;
	v4 =	vmul.f32 v6, v7;
	v7 =	vor.u32 $0x1A, v2;
	v6 =	vld.idx.msk [tilespmem:v14+s13+$0x0], $0xffff  }
0xf4: {  	v14 =	vor.u32 $0x1A, v1;
	v10 =	vld.idx.msk [tilespmem:v10+s12+$0x0], $0xffff  }
0xf5: {  	v3 =	vadd.f32 v4, v3;
	v4 =	vmul.f32 v8, v9;
	v9 =	vor.u32 $0x1B, v2;
	v8 =	vld.idx.msk [tilespmem:v15+s13+$0x0], $0xffff  }
0xf6: {  	v15 =	vor.u32 $0x1B, v1;
	v12 =	vld.idx.msk [tilespmem:v12+s12+$0x0], $0xffff  }
0xf7: {  	v3 =	vadd.f32 v4, v3;
	v4 =	vmul.f32 v5, v11;
	v11 =	vor.u32 $0x1C, v2;
	v5 =	vld.idx.msk [tilespmem:v16+s13+$0x0], $0xffff  }
0xf8: {  	v16 =	vor.u32 $0x1C, v1;
	v7 =	vld.idx.msk [tilespmem:v7+s12+$0x0], $0xffff  }
0xf9: {  	v3 =	vadd.f32 v4, v3;
	v4 =	vmul.f32 v6, v13;
	v13 =	vor.u32 $0x1D, v2;
	v6 =	vld.idx.msk [tilespmem:v14+s13+$0x0], $0xffff  }
0xfa: {  	v14 =	vor.u32 $0x1D, v1;
	v9 =	vld.idx.msk [tilespmem:v9+s12+$0x0], $0xffff  }
0xfb: {  	v3 =	vadd.f32 v4, v3;
	v4 =	vmul.f32 v8, v10;
	v10 =	vor.u32 $0x1E, v2;
	v8 =	vld.idx.msk [tilespmem:v15+s13+$0x0], $0xffff  }
0xfc: {  	v15 =	vor.u32 $0x1E, v1;
	v11 =	vld.idx.msk [tilespmem:v11+s12+$0x0], $0xffff  }
0xfd: {  	v3 =	vadd.f32 v4, v3;
	v4 =	vmul.f32 v5, v12;
	v12 =	vor.u32 $0x1F, v2;
	v5 =	vld.idx.msk [tilespmem:v16+s13+$0x0], $0xffff  }
0xfe: {  	v16 =	vor.u32 $0x1F, v1;
	v13 =	vld.idx.msk [tilespmem:v13+s12+$0x0], $0xffff  }
0xff: {  	v3 =	vadd.f32 v4, v3;
	v4 =	vmul.f32 v6, v7;
	v7 =	vor.u32 $0x20, v2;
	v6 =	vld.idx.msk [tilespmem:v14+s13+$0x0], $0xffff  }
0x100: {  	v14 =	vor.u32 $0x20, v1;
	v10 =	vld.idx.msk [tilespmem:v10+s12+$0x0], $0xffff  }
0x101: {  	v3 =	vadd.f32 v4, v3;
	v4 =	vmul.f32 v8, v9;
	v9 =	vor.u32 $0x21, v2;
	v8 =	vld.idx.msk [tilespmem:v15+s13+$0x0], $0xffff  }
0x102: {  	v15 =	vor.u32 $0x21, v1;
	v12 =	vld.idx.msk [tilespmem:v12+s12+$0x0], $0xffff  }
0x103: {  	v3 =	vadd.f32 v4, v3;
	v4 =	vmul.f32 v5, v11;
	v11 =	vor.u32 $0x22, v2;
	v5 =	vld.idx.msk [tilespmem:v16+s13+$0x0], $0xffff  }
0x104: {  	v16 =	vor.u32 $0x22, v1;
	v7 =	vld.idx.msk [tilespmem:v7+s12+$0x0], $0xffff  }
0x105: {  	v3 =	vadd.f32 v4, v3;
	v4 =	vmul.f32 v6, v13;
	v13 =	vor.u32 $0x23, v2;
	v6 =	vld.idx.msk [tilespmem:v14+s13+$0x0], $0xffff  }
0x106: {  	v14 =	vor.u32 $0x23, v1;
	v9 =	vld.idx.msk [tilespmem:v9+s12+$0x0], $0xffff  }
0x107: {  	v3 =	vadd.f32 v4, v3;
	v4 =	vmul.f32 v8, v10;
	v10 =	vor.u32 $0x24, v2;
	v8 =	vld.idx.msk [tilespmem:v15+s13+$0x0], $0xffff  }
0x108: {  	v15 =	vor.u32 $0x24, v1;
	v11 =	vld.idx.msk [tilespmem:v11+s12+$0x0], $0xffff  }
0x109: {  	v3 =	vadd.f32 v4, v3;
	v4 =	vmul.f32 v5, v12;
	v12 =	vor.u32 $0x25, v2;
	v5 =	vld.idx.msk [tilespmem:v16+s13+$0x0], $0xffff  }
0x10a: {  	v16 =	vor.u32 $0x25, v1;
	v13 =	vld.idx.msk [tilespmem:v13+s12+$0x0], $0xffff  }
0x10b: {  	v3 =	vadd.f32 v4, v3;
	v4 =	vmul.f32 v6, v7;
	v7 =	vor.u32 $0x26, v2;
	v6 =	vld.idx.msk [tilespmem:v14+s13+$0x0], $0xffff  }
0x10c: {  	v14 =	vor.u32 $0x26, v1;
	v10 =	vld.idx.msk [tilespmem:v10+s12+$0x0], $0xffff  }
0x10d: {  	v3 =	vadd.f32 v4, v3;
	v4 =	vmul.f32 v8, v9;
	v9 =	vor.u32 $0x27, v2;
	v8 =	vld.idx.msk [tilespmem:v15+s13+$0x0], $0xffff  }
0x10e: {  	v15 =	vor.u32 $0x27, v1;
	v12 =	vld.idx.msk [tilespmem:v12+s12+$0x0], $0xffff  }
0x10f: {  	v3 =	vadd.f32 v4, v3;
	v4 =	vmul.f32 v5, v11;
	v11 =	vor.u32 $0x28, v2;
	v5 =	vld.idx.msk [tilespmem:v16+s13+$0x0], $0xffff  }
0x110: {  	v16 =	vor.u32 $0x28, v1;
	v7 =	vld.idx.msk [tilespmem:v7+s12+$0x0], $0xffff  }
0x111: {  	v3 =	vadd.f32 v4, v3;
	v4 =	vmul.f32 v6, v13;
	v13 =	vor.u32 $0x29, v2;
	v6 =	vld.idx.msk [tilespmem:v14+s13+$0x0], $0xffff  }
0x112: {  	v14 =	vor.u32 $0x29, v1;
	v9 =	vld.idx.msk [tilespmem:v9+s12+$0x0], $0xffff  }
0x113: {  	v3 =	vadd.f32 v4, v3;
	v4 =	vmul.f32 v8, v10;
	v10 =	vor.u32 $0x2A, v2;
	v8 =	vld.idx.msk [tilespmem:v15+s13+$0x0], $0xffff  }
0x114: {  	v15 =	vor.u32 $0x2A, v1;
	v11 =	vld.idx.msk [tilespmem:v11+s12+$0x0], $0xffff  }
0x115: {  	v3 =	vadd.f32 v4, v3;
	v4 =	vmul.f32 v5, v12;
	v12 =	vor.u32 $0x2B, v2;
	v5 =	vld.idx.msk [tilespmem:v16+s13+$0x0], $0xffff  }
0x116: {  	v16 =	vor.u32 $0x2B, v1;
	v13 =	vld.idx.msk [tilespmem:v13+s12+$0x0], $0xffff  }
0x117: {  	v3 =	vadd.f32 v4, v3;
	v4 =	vmul.f32 v6, v7;
	v7 =	vor.u32 $0x2C, v2;
	v6 =	vld.idx.msk [tilespmem:v14+s13+$0x0], $0xffff  }
0x118: {  	v14 =	vor.u32 $0x2C, v1;
	v10 =	vld.idx.msk [tilespmem:v10+s12+$0x0], $0xffff  }
0x119: {  	v3 =	vadd.f32 v4, v3;
	v4 =	vmul.f32 v8, v9;
	v9 =	vor.u32 $0x2D, v2;
	v8 =	vld.idx.msk [tilespmem:v15+s13+$0x0], $0xffff  }
0x11a: {  	v15 =	vor.u32 $0x2D, v1;
	v12 =	vld.idx.msk [tilespmem:v12+s12+$0x0], $0xffff  }
0x11b: {  	v3 =	vadd.f32 v4, v3;
	v4 =	vmul.f32 v5, v11;
	v11 =	vor.u32 $0x2E, v2;
	v5 =	vld.idx.msk [tilespmem:v16+s13+$0x0], $0xffff  }
0x11c: {  	v16 =	vor.u32 $0x2E, v1;
	v7 =	vld.idx.msk [tilespmem:v7+s12+$0x0], $0xffff  }
0x11d: {  	v3 =	vadd.f32 v4, v3;
	v4 =	vmul.f32 v6, v13;
	v13 =	vor.u32 $0x2F, v2;
	v6 =	vld.idx.msk [tilespmem:v14+s13+$0x0], $0xffff  }
0x11e: {  	v14 =	vor.u32 $0x2F, v1;
	v9 =	vld.idx.msk [tilespmem:v9+s12+$0x0], $0xffff  }
0x11f: {  	v3 =	vadd.f32 v4, v3;
	v4 =	vmul.f32 v8, v10;
	v10 =	vor.u32 $0x30, v2;
	v8 =	vld.idx.msk [tilespmem:v15+s13+$0x0], $0xffff  }
0x120: {  	v15 =	vor.u32 $0x30, v1;
	v11 =	vld.idx.msk [tilespmem:v11+s12+$0x0], $0xffff  }
0x121: {  	v3 =	vadd.f32 v4, v3;
	v4 =	vmul.f32 v5, v12;
	v12 =	vor.u32 $0x31, v2;
	v5 =	vld.idx.msk [tilespmem:v16+s13+$0x0], $0xffff  }
0x122: {  	v16 =	vor.u32 $0x31, v1;
	v13 =	vld.idx.msk [tilespmem:v13+s12+$0x0], $0xffff  }
0x123: {  	v3 =	vadd.f32 v4, v3;
	v4 =	vmul.f32 v6, v7;
	v7 =	vor.u32 $0x32, v2;
	v6 =	vld.idx.msk [tilespmem:v14+s13+$0x0], $0xffff  }
0x124: {  	v14 =	vor.u32 $0x32, v1;
	v10 =	vld.idx.msk [tilespmem:v10+s12+$0x0], $0xffff  }
0x125: {  	v3 =	vadd.f32 v4, v3;
	v4 =	vmul.f32 v8, v9;
	v9 =	vor.u32 $0x33, v2;
	v8 =	vld.idx.msk [tilespmem:v15+s13+$0x0], $0xffff  }
0x126: {  	v15 =	vor.u32 $0x33, v1;
	v12 =	vld.idx.msk [tilespmem:v12+s12+$0x0], $0xffff  }
0x127: {  	v3 =	vadd.f32 v4, v3;
	v4 =	vmul.f32 v5, v11;
	v11 =	vor.u32 $0x34, v2;
	v5 =	vld.idx.msk [tilespmem:v16+s13+$0x0], $0xffff  }
0x128: {  	v16 =	vor.u32 $0x34, v1;
	v7 =	vld.idx.msk [tilespmem:v7+s12+$0x0], $0xffff  }
0x129: {  	v3 =	vadd.f32 v4, v3;
	v4 =	vmul.f32 v6, v13;
	v13 =	vor.u32 $0x35, v2;
	v6 =	vld.idx.msk [tilespmem:v14+s13+$0x0], $0xffff  }
0x12a: {  	v14 =	vor.u32 $0x35, v1;
	v9 =	vld.idx.msk [tilespmem:v9+s12+$0x0], $0xffff  }
0x12b: {  	v3 =	vadd.f32 v4, v3;
	v4 =	vmul.f32 v8, v10;
	v10 =	vor.u32 $0x36, v2;
	v8 =	vld.idx.msk [tilespmem:v15+s13+$0x0], $0xffff  }
0x12c: {  	v15 =	vor.u32 $0x36, v1;
	v11 =	vld.idx.msk [tilespmem:v11+s12+$0x0], $0xffff  }
0x12d: {  	v3 =	vadd.f32 v4, v3;
	v4 =	vmul.f32 v5, v12;
	v12 =	vor.u32 $0x37, v2;
	v5 =	vld.idx.msk [tilespmem:v16+s13+$0x0], $0xffff  }
0x12e: {  	v16 =	vor.u32 $0x37, v1;
	v13 =	vld.idx.msk [tilespmem:v13+s12+$0x0], $0xffff  }
0x12f: {  	v3 =	vadd.f32 v4, v3;
	v4 =	vmul.f32 v6, v7;
	v7 =	vor.u32 $0x38, v2;
	v6 =	vld.idx.msk [tilespmem:v14+s13+$0x0], $0xffff  }
0x130: {  	v14 =	vor.u32 $0x38, v1;
	v10 =	vld.idx.msk [tilespmem:v10+s12+$0x0], $0xffff  }
0x131: {  	v3 =	vadd.f32 v4, v3;
	v4 =	vmul.f32 v8, v9;
	v9 =	vor.u32 $0x39, v2;
	v8 =	vld.idx.msk [tilespmem:v15+s13+$0x0], $0xffff  }
0x132: {  	v15 =	vor.u32 $0x39, v1;
	v12 =	vld.idx.msk [tilespmem:v12+s12+$0x0], $0xffff  }
0x133: {  	v3 =	vadd.f32 v4, v3;
	v4 =	vmul.f32 v5, v11;
	v11 =	vor.u32 $0x3A, v2;
	v5 =	vld.idx.msk [tilespmem:v16+s13+$0x0], $0xffff  }
0x134: {  	v16 =	vor.u32 $0x3A, v1;
	v7 =	vld.idx.msk [tilespmem:v7+s12+$0x0], $0xffff  }
0x135: {  	v3 =	vadd.f32 v4, v3;
	v4 =	vmul.f32 v6, v13;
	v13 =	vor.u32 $0x3B, v2;
	v6 =	vld.idx.msk [tilespmem:v14+s13+$0x0], $0xffff  }
0x136: {  	v14 =	vor.u32 $0x3B, v1;
	v9 =	vld.idx.msk [tilespmem:v9+s12+$0x0], $0xffff  }
0x137: {  	v3 =	vadd.f32 v4, v3;
	v4 =	vmul.f32 v8, v10;
	v10 =	vor.u32 $0x3C, v2;
	v8 =	vld.idx.msk [tilespmem:v15+s13+$0x0], $0xffff  }
0x138: {  	v15 =	vor.u32 $0x3C, v1;
	v11 =	vld.idx.msk [tilespmem:v11+s12+$0x0], $0xffff  }
0x139: {  	v3 =	vadd.f32 v4, v3;
	v4 =	vmul.f32 v5, v12;
	v12 =	vor.u32 $0x3D, v2;
	v5 =	vld.idx.msk [tilespmem:v16+s13+$0x0], $0xffff  }
0x13a: {  	v16 =	vor.u32 $0x3D, v1;
	v13 =	vld.idx.msk [tilespmem:v13+s12+$0x0], $0xffff  }
0x13b: {  	v3 =	vadd.f32 v4, v3;
	v4 =	vmul.f32 v6, v7;
	v7 =	vor.u32 $0x3E, v2;
	v6 =	vld.idx.msk [tilespmem:v14+s13+$0x0], $0xffff  }
0x13c: {  	v14 =	vor.u32 $0x3E, v1;
	v10 =	vld.idx.msk [tilespmem:v10+s12+$0x0], $0xffff  }
0x13d: {  	v2 =	vor.u32 $0x3F, v2;
	v3 =	vadd.f32 v4, v3;
	v4 =	vmul.f32 v8, v9;
	v8 =	vld.idx.msk [tilespmem:v15+s13+$0x0], $0xffff  }
0x13e: {  	v1 =	vor.u32 $0x3F, v1;
	v9 =	vld.idx.msk [tilespmem:v12+s12+$0x0], $0xffff  }
0x13f: {  	v3 =	vadd.f32 v4, v3;
	v4 =	vmul.f32 v5, v11;
	v5 =	vld.idx.msk [tilespmem:v16+s13+$0x0], $0xffff  }
0x140: {  	v7 =	vld.idx.msk [tilespmem:v7+s12+$0x0], $0xffff  }
0x141: {  	v3 =	vadd.f32 v4, v3;
	v4 =	vmul.f32 v6, v13;
	v6 =	vld.idx.msk [tilespmem:v14+s13+$0x0], $0xffff  }
0x142: {  	v2 =	vld.idx.msk [tilespmem:v2+s12+$0x0], $0xffff  }
0x143: {  	v3 =	vadd.f32 v4, v3;
	v4 =	vmul.f32 v8, v10;
	v1 =	vld.idx.msk [tilespmem:v1+s13+$0x0], $0xffff;
	_ =	sdelay $0x1  }
0x144: {  	v3 =	vadd.f32 v4, v3;
	v4 =	vmul.f32 v5, v9;
	_ =	sdelay $0x1  }
0x145: {  	v3 =	vadd.f32 v4, v3;
	v4 =	vmul.f32 v6, v7;
	_ =	sdelay $0x1  }
0x146: {  	v3 =	vadd.f32 v4, v3;
	v1 =	vmul.f32 v1, v2;
	_ =	sdelay $0x1  }
0x147: {  	v1 =	vadd.f32 v1, v3;
	_ =	sdelay $0x1  }
0x148: {  	v1 =	vsub.f32 $0.0e+00, v1;
	_ =	sdelay $0x1  }
0x149: {  	v1 =	vmul.f32 $1.442695020e+00, v1;
	_ =	sdelay $0x1  }
0x14a: {  	(erf) = vpow2.f32 v1;
	_ =	sdelay $0x8  }
0x14b: {  	v1 =	vpop (erf)  }
0x14c: {  	v1 =	vadd.f32 $1.000000000e+00, v1;
	_ =	sdelay $0x1  }
0x14d: {  	(erf) = vrcp.f32 v1;
	_ =	sdelay $0x7  }
.Ltmp0:
0x14e: {  	(pc) =	sbr.rel @p1 .LBB2_3-.Ltmp0, $4  }
0x14f: {  	s18 =	sadd.s32 $0x10, s18;
	v1 =	vpop (erf)  }
0x150: {  	s19 =	sadd.s32 $0x10, s19;
	[tilespmem:s18+$0x0] =	vst v1  }
0x151: {  	s20 =	sadd.s32 $0x10, s20;
	v1 =	vld [tilespmem:s19+$0x0]  }
0x152: {  	s22 =	sadd.s32 $0x10, s22;
	v2 =	vld [tilespmem:s20+$0x0]  }
0x153: {  	_ =	sdelay $0x1  }
0x154: {  	v3 =	vmov s21  }
0x155: {  	v3 =	vshll.u32 v3, $0x7;
	v1 =	vshll.u32 v1, $0x6  }
0x156: {  	v3 =	vor.u32 v0, v3;
	v1 =	vand.u32 $0x40, v1;
	v2 =	vshll.u32 v2, $0x6  }
0x157: {  	v4 =	vand.u32 $0x40, v2;
	v2 =	vor.u32 v3, v1  }
0x158: {  	v1 =	vor.u32 v3, v4  }
0x159: {  	v3 =	vor.u32 $0x1, v2  }
0x15a: {  	v4 =	vor.u32 $0x1, v1  }
0x15b: {  	v5 =	vor.u32 $0x2, v2  }
0x15c: {  	v7 =	vor.u32 $0x2, v1;
	v6 =	vld.idx.msk [tilespmem:v2+s12+$0x0], $0xffff  }
0x15d: {  	v9 =	vor.u32 $0x3, v2;
	v8 =	vld.idx.msk [tilespmem:v1+s13+$0x0], $0xffff  }
0x15e: {  	v10 =	vor.u32 $0x3, v1;
	v3 =	vld.idx.msk [tilespmem:v3+s12+$0x0], $0xffff  }
0x15f: {  	v11 =	vor.u32 $0x4, v2;
	v4 =	vld.idx.msk [tilespmem:v4+s13+$0x0], $0xffff  }
0x160: {  	v12 =	vor.u32 $0x4, v1;
	v5 =	vld.idx.msk [tilespmem:v5+s12+$0x0], $0xffff  }
0x161: {  	v13 =	vor.u32 $0x5, v2;
	v7 =	vld.idx.msk [tilespmem:v7+s13+$0x0], $0xffff  }
0x162: {  	v14 =	vor.u32 $0x5, v1;
	v9 =	vld.idx.msk [tilespmem:v9+s12+$0x0], $0xffff;
	v6 =	vmul.f32 v8, v6  }
0x163: {  	v53 =	vor.u32 $0x6, v2;
	v52 =	vld.idx.msk [tilespmem:v10+s13+$0x0], $0xffff  }
0x164: {  	v15 =	vor.u32 $0x6, v1;
	v11 =	vld.idx.msk [tilespmem:v11+s12+$0x0], $0xffff;
	v3 =	vmul.f32 v4, v3;
	v6 =	vadd.f32 $0.0e+00, v6  }
0x165: {  	v55 =	vor.u32 $0x7, v2;
	v54 =	vld.idx.msk [tilespmem:v12+s13+$0x0], $0xffff  }
0x166: {  	v16 =	vor.u32 $0x7, v1;
	v13 =	vld.idx.msk [tilespmem:v13+s12+$0x0], $0xffff;
	v5 =	vmul.f32 v7, v5;
	v3 =	vadd.f32 v3, v6  }
0x167: {  	v58 =	vor.u32 $0x8, v1;
	v56 =	vld.idx.msk [tilespmem:v14+s13+$0x0], $0xffff  }
0x168: {  	v57 =	vor.u32 $0x8, v2;
	v10 =	vld.idx.msk [tilespmem:v53+s12+$0x0], $0xffff;
	v59 =	vmul.f32 v52, v9;
	v3 =	vadd.f32 v5, v3  }
0x169: {  	v62 =	vor.u32 $0x9, v1;
	v60 =	vld.idx.msk [tilespmem:v15+s13+$0x0], $0xffff  }
0x16a: {  	v61 =	vor.u32 $0x9, v2;
	v12 =	vld.idx.msk [tilespmem:v55+s12+$0x0], $0xffff;
	v4 =	vmul.f32 v54, v11;
	v3 =	vadd.f32 v59, v3  }
0x16b: {  	v21 =	vor.u32 $0xA, v1;
	v63 =	vld.idx.msk [tilespmem:v16+s13+$0x0], $0xffff  }
0x16c: {  	v20 =	vor.u32 $0xA, v2;
	v23 =	vld.idx.msk [tilespmem:v58+s13+$0x0], $0xffff;
	v22 =	vmul.f32 v56, v13;
	v3 =	vadd.f32 v4, v3  }
0x16d: {  	v25 =	vor.u32 $0xB, v1;
	v7 =	vld.idx.msk [tilespmem:v57+s12+$0x0], $0xffff  }
0x16e: {  	v24 =	vor.u32 $0xB, v2;
	v27 =	vld.idx.msk [tilespmem:v62+s13+$0x0], $0xffff;
	v26 =	vmul.f32 v60, v10;
	v3 =	vadd.f32 v22, v3  }
0x16f: {  	v29 =	vor.u32 $0xC, v1;
	v9 =	vld.idx.msk [tilespmem:v61+s12+$0x0], $0xffff  }
0x170: {  	v28 =	vor.u32 $0xC, v2;
	v31 =	vld.idx.msk [tilespmem:v21+s13+$0x0], $0xffff;
	v30 =	vmul.f32 v63, v12;
	v3 =	vadd.f32 v26, v3  }
0x171: {  	v33 =	vor.u32 $0xD, v1;
	v11 =	vld.idx.msk [tilespmem:v20+s12+$0x0], $0xffff  }
0x172: {  	v32 =	vor.u32 $0xD, v2;
	v35 =	vld.idx.msk [tilespmem:v25+s13+$0x0], $0xffff;
	v34 =	vmul.f32 v23, v7;
	v3 =	vadd.f32 v30, v3  }
0x173: {  	v37 =	vor.u32 $0xE, v1;
	v13 =	vld.idx.msk [tilespmem:v24+s12+$0x0], $0xffff  }
0x174: {  	v36 =	vor.u32 $0xE, v2;
	v39 =	vld.idx.msk [tilespmem:v29+s13+$0x0], $0xffff;
	v38 =	vmul.f32 v27, v9;
	v3 =	vadd.f32 v34, v3  }
0x175: {  	v41 =	vor.u32 $0xF, v1;
	v10 =	vld.idx.msk [tilespmem:v28+s12+$0x0], $0xffff  }
0x176: {  	v40 =	vor.u32 $0xF, v2;
	v43 =	vld.idx.msk [tilespmem:v33+s13+$0x0], $0xffff;
	v42 =	vmul.f32 v31, v11;
	v3 =	vadd.f32 v38, v3  }
0x177: {  	v45 =	vor.u32 $0x10, v1;
	v12 =	vld.idx.msk [tilespmem:v32+s12+$0x0], $0xffff  }
0x178: {  	v44 =	vor.u32 $0x10, v2;
	v47 =	vld.idx.msk [tilespmem:v37+s13+$0x0], $0xffff;
	v46 =	vmul.f32 v35, v13;
	v3 =	vadd.f32 v42, v3  }
0x179: {  	v48 =	vor.u32 $0x11, v2;
	v7 =	vld.idx.msk [tilespmem:v36+s12+$0x0], $0xffff  }
0x17a: {  	v49 =	vor.u32 $0x11, v1;
	v51 =	vld.idx.msk [tilespmem:v41+s13+$0x0], $0xffff;
	v50 =	vmul.f32 v39, v10;
	v3 =	vadd.f32 v46, v3  }
0x17b: {  	v53 =	vor.u32 $0x12, v1;
	v9 =	vld.idx.msk [tilespmem:v40+s12+$0x0], $0xffff  }
0x17c: {  	v55 =	vld.idx.msk [tilespmem:v45+s13+$0x0], $0xffff;
	v52 =	vor.u32 $0x12, v2;
	v54 =	vmul.f32 v43, v12;
	v3 =	vadd.f32 v50, v3  }
0x17d: {  	v56 =	vor.u32 $0x13, v2;
	v11 =	vld.idx.msk [tilespmem:v44+s12+$0x0], $0xffff  }
0x17e: {  	v57 =	vor.u32 $0x13, v1;
	v13 =	vld.idx.msk [tilespmem:v48+s12+$0x0], $0xffff;
	v58 =	vmul.f32 v47, v7;
	v3 =	vadd.f32 v54, v3  }
0x17f: {  	v61 =	vor.u32 $0x14, v1;
	v59 =	vld.idx.msk [tilespmem:v49+s13+$0x0], $0xffff  }
0x180: {  	v60 =	vor.u32 $0x14, v2;
	v63 =	vld.idx.msk [tilespmem:v53+s13+$0x0], $0xffff;
	v62 =	vmul.f32 v51, v9;
	v3 =	vadd.f32 v58, v3  }
0x181: {  	v21 =	vor.u32 $0x15, v1;
	v10 =	vld.idx.msk [tilespmem:v52+s12+$0x0], $0xffff  }
0x182: {  	v20 =	vor.u32 $0x15, v2;
	v12 =	vld.idx.msk [tilespmem:v56+s12+$0x0], $0xffff;
	v22 =	vmul.f32 v55, v11;
	v3 =	vadd.f32 v62, v3  }
0x183: {  	v25 =	vor.u32 $0x16, v1;
	v23 =	vld.idx.msk [tilespmem:v57+s13+$0x0], $0xffff  }
0x184: {  	v24 =	vor.u32 $0x16, v2;
	v27 =	vld.idx.msk [tilespmem:v61+s13+$0x0], $0xffff;
	v26 =	vmul.f32 v59, v13;
	v3 =	vadd.f32 v22, v3  }
0x185: {  	v29 =	vor.u32 $0x17, v1;
	v7 =	vld.idx.msk [tilespmem:v60+s12+$0x0], $0xffff  }
0x186: {  	v28 =	vor.u32 $0x17, v2;
	v31 =	vld.idx.msk [tilespmem:v21+s13+$0x0], $0xffff;
	v30 =	vmul.f32 v63, v10;
	v3 =	vadd.f32 v26, v3  }
0x187: {  	v33 =	vor.u32 $0x18, v1;
	v9 =	vld.idx.msk [tilespmem:v20+s12+$0x0], $0xffff  }
0x188: {  	v32 =	vor.u32 $0x18, v2;
	v35 =	vld.idx.msk [tilespmem:v25+s13+$0x0], $0xffff;
	v34 =	vmul.f32 v23, v12;
	v3 =	vadd.f32 v30, v3  }
0x189: {  	v37 =	vor.u32 $0x19, v1;
	v11 =	vld.idx.msk [tilespmem:v24+s12+$0x0], $0xffff  }
0x18a: {  	v36 =	vor.u32 $0x19, v2;
	v39 =	vld.idx.msk [tilespmem:v29+s13+$0x0], $0xffff;
	v38 =	vmul.f32 v27, v7;
	v3 =	vadd.f32 v34, v3  }
0x18b: {  	v41 =	vor.u32 $0x1A, v1;
	v13 =	vld.idx.msk [tilespmem:v28+s12+$0x0], $0xffff  }
0x18c: {  	v40 =	vor.u32 $0x1A, v2;
	v43 =	vld.idx.msk [tilespmem:v33+s13+$0x0], $0xffff;
	v42 =	vmul.f32 v31, v9;
	v3 =	vadd.f32 v38, v3  }
0x18d: {  	v45 =	vor.u32 $0x1B, v1;
	v10 =	vld.idx.msk [tilespmem:v32+s12+$0x0], $0xffff  }
0x18e: {  	v44 =	vor.u32 $0x1B, v2;
	v47 =	vld.idx.msk [tilespmem:v37+s13+$0x0], $0xffff;
	v46 =	vmul.f32 v35, v11;
	v3 =	vadd.f32 v42, v3  }
0x18f: {  	v49 =	vor.u32 $0x1C, v1;
	v12 =	vld.idx.msk [tilespmem:v36+s12+$0x0], $0xffff  }
0x190: {  	v48 =	vor.u32 $0x1C, v2;
	v51 =	vld.idx.msk [tilespmem:v41+s13+$0x0], $0xffff;
	v50 =	vmul.f32 v39, v13;
	v3 =	vadd.f32 v46, v3  }
0x191: {  	v53 =	vor.u32 $0x1D, v1;
	v7 =	vld.idx.msk [tilespmem:v40+s12+$0x0], $0xffff  }
0x192: {  	v52 =	vor.u32 $0x1D, v2;
	v55 =	vld.idx.msk [tilespmem:v45+s13+$0x0], $0xffff;
	v54 =	vmul.f32 v43, v10;
	v3 =	vadd.f32 v50, v3  }
0x193: {  	v57 =	vor.u32 $0x1E, v1;
	v9 =	vld.idx.msk [tilespmem:v44+s12+$0x0], $0xffff  }
0x194: {  	v56 =	vor.u32 $0x1E, v2;
	v59 =	vld.idx.msk [tilespmem:v49+s13+$0x0], $0xffff;
	v58 =	vmul.f32 v47, v12;
	v3 =	vadd.f32 v54, v3  }
0x195: {  	v61 =	vor.u32 $0x1F, v1;
	v11 =	vld.idx.msk [tilespmem:v48+s12+$0x0], $0xffff  }
0x196: {  	v60 =	vor.u32 $0x1F, v2;
	v63 =	vld.idx.msk [tilespmem:v53+s13+$0x0], $0xffff;
	v62 =	vmul.f32 v51, v7;
	v3 =	vadd.f32 v58, v3  }
0x197: {  	v21 =	vor.u32 $0x20, v1;
	v13 =	vld.idx.msk [tilespmem:v52+s12+$0x0], $0xffff  }
0x198: {  	v20 =	vor.u32 $0x20, v2;
	v23 =	vld.idx.msk [tilespmem:v57+s13+$0x0], $0xffff;
	v22 =	vmul.f32 v55, v9;
	v3 =	vadd.f32 v62, v3  }
0x199: {  	v25 =	vor.u32 $0x21, v1;
	v10 =	vld.idx.msk [tilespmem:v56+s12+$0x0], $0xffff  }
0x19a: {  	v24 =	vor.u32 $0x21, v2;
	v27 =	vld.idx.msk [tilespmem:v61+s13+$0x0], $0xffff;
	v26 =	vmul.f32 v59, v11;
	v3 =	vadd.f32 v22, v3  }
0x19b: {  	v29 =	vor.u32 $0x22, v1;
	v12 =	vld.idx.msk [tilespmem:v60+s12+$0x0], $0xffff  }
0x19c: {  	v28 =	vor.u32 $0x22, v2;
	v31 =	vld.idx.msk [tilespmem:v21+s13+$0x0], $0xffff;
	v30 =	vmul.f32 v63, v13;
	v3 =	vadd.f32 v26, v3  }
0x19d: {  	v33 =	vor.u32 $0x23, v1;
	v7 =	vld.idx.msk [tilespmem:v20+s12+$0x0], $0xffff  }
0x19e: {  	v32 =	vor.u32 $0x23, v2;
	v35 =	vld.idx.msk [tilespmem:v25+s13+$0x0], $0xffff;
	v34 =	vmul.f32 v23, v10;
	v3 =	vadd.f32 v30, v3  }
0x19f: {  	v37 =	vor.u32 $0x24, v1;
	v9 =	vld.idx.msk [tilespmem:v24+s12+$0x0], $0xffff  }
0x1a0: {  	v36 =	vor.u32 $0x24, v2;
	v39 =	vld.idx.msk [tilespmem:v29+s13+$0x0], $0xffff;
	v38 =	vmul.f32 v27, v12;
	v3 =	vadd.f32 v34, v3  }
0x1a1: {  	v41 =	vor.u32 $0x25, v1;
	v11 =	vld.idx.msk [tilespmem:v28+s12+$0x0], $0xffff  }
0x1a2: {  	v40 =	vor.u32 $0x25, v2;
	v43 =	vld.idx.msk [tilespmem:v33+s13+$0x0], $0xffff;
	v42 =	vmul.f32 v31, v7;
	v3 =	vadd.f32 v38, v3  }
0x1a3: {  	v45 =	vor.u32 $0x26, v1;
	v13 =	vld.idx.msk [tilespmem:v32+s12+$0x0], $0xffff  }
0x1a4: {  	v44 =	vor.u32 $0x26, v2;
	v47 =	vld.idx.msk [tilespmem:v37+s13+$0x0], $0xffff;
	v46 =	vmul.f32 v35, v9;
	v3 =	vadd.f32 v42, v3  }
0x1a5: {  	v49 =	vor.u32 $0x27, v1;
	v10 =	vld.idx.msk [tilespmem:v36+s12+$0x0], $0xffff  }
0x1a6: {  	v48 =	vor.u32 $0x27, v2;
	v51 =	vld.idx.msk [tilespmem:v41+s13+$0x0], $0xffff;
	v50 =	vmul.f32 v39, v11;
	v3 =	vadd.f32 v46, v3  }
0x1a7: {  	v53 =	vor.u32 $0x28, v1;
	v12 =	vld.idx.msk [tilespmem:v40+s12+$0x0], $0xffff  }
0x1a8: {  	v52 =	vor.u32 $0x28, v2;
	v55 =	vld.idx.msk [tilespmem:v45+s13+$0x0], $0xffff;
	v54 =	vmul.f32 v43, v13;
	v3 =	vadd.f32 v50, v3  }
0x1a9: {  	v57 =	vor.u32 $0x29, v1;
	v7 =	vld.idx.msk [tilespmem:v44+s12+$0x0], $0xffff  }
0x1aa: {  	v56 =	vor.u32 $0x29, v2;
	v59 =	vld.idx.msk [tilespmem:v49+s13+$0x0], $0xffff;
	v58 =	vmul.f32 v47, v10;
	v3 =	vadd.f32 v54, v3  }
0x1ab: {  	v61 =	vor.u32 $0x2A, v1;
	v9 =	vld.idx.msk [tilespmem:v48+s12+$0x0], $0xffff  }
0x1ac: {  	v60 =	vor.u32 $0x2A, v2;
	v63 =	vld.idx.msk [tilespmem:v53+s13+$0x0], $0xffff;
	v62 =	vmul.f32 v51, v12;
	v3 =	vadd.f32 v58, v3  }
0x1ad: {  	v21 =	vor.u32 $0x2B, v1;
	v11 =	vld.idx.msk [tilespmem:v52+s12+$0x0], $0xffff  }
0x1ae: {  	v20 =	vor.u32 $0x2B, v2;
	v23 =	vld.idx.msk [tilespmem:v57+s13+$0x0], $0xffff;
	v22 =	vmul.f32 v55, v7;
	v3 =	vadd.f32 v62, v3  }
0x1af: {  	v25 =	vor.u32 $0x2C, v1;
	v13 =	vld.idx.msk [tilespmem:v56+s12+$0x0], $0xffff  }
0x1b0: {  	v24 =	vor.u32 $0x2C, v2;
	v27 =	vld.idx.msk [tilespmem:v61+s13+$0x0], $0xffff;
	v26 =	vmul.f32 v59, v9;
	v3 =	vadd.f32 v22, v3  }
0x1b1: {  	v29 =	vor.u32 $0x2D, v1;
	v10 =	vld.idx.msk [tilespmem:v60+s12+$0x0], $0xffff  }
0x1b2: {  	v28 =	vor.u32 $0x2D, v2;
	v31 =	vld.idx.msk [tilespmem:v21+s13+$0x0], $0xffff;
	v30 =	vmul.f32 v63, v11;
	v3 =	vadd.f32 v26, v3  }
0x1b3: {  	v33 =	vor.u32 $0x2E, v1;
	v12 =	vld.idx.msk [tilespmem:v20+s12+$0x0], $0xffff  }
0x1b4: {  	v32 =	vor.u32 $0x2E, v2;
	v35 =	vld.idx.msk [tilespmem:v25+s13+$0x0], $0xffff;
	v34 =	vmul.f32 v23, v13;
	v3 =	vadd.f32 v30, v3  }
0x1b5: {  	v37 =	vor.u32 $0x2F, v1;
	v7 =	vld.idx.msk [tilespmem:v24+s12+$0x0], $0xffff  }
0x1b6: {  	v36 =	vor.u32 $0x2F, v2;
	v39 =	vld.idx.msk [tilespmem:v29+s13+$0x0], $0xffff;
	v38 =	vmul.f32 v27, v10;
	v3 =	vadd.f32 v34, v3  }
0x1b7: {  	v41 =	vor.u32 $0x30, v1;
	v9 =	vld.idx.msk [tilespmem:v28+s12+$0x0], $0xffff  }
0x1b8: {  	v40 =	vor.u32 $0x30, v2;
	v43 =	vld.idx.msk [tilespmem:v33+s13+$0x0], $0xffff;
	v42 =	vmul.f32 v31, v12;
	v3 =	vadd.f32 v38, v3  }
0x1b9: {  	v45 =	vor.u32 $0x31, v1;
	v11 =	vld.idx.msk [tilespmem:v32+s12+$0x0], $0xffff  }
0x1ba: {  	v44 =	vor.u32 $0x31, v2;
	v47 =	vld.idx.msk [tilespmem:v37+s13+$0x0], $0xffff;
	v46 =	vmul.f32 v35, v7;
	v3 =	vadd.f32 v42, v3  }
0x1bb: {  	v49 =	vor.u32 $0x32, v1;
	v13 =	vld.idx.msk [tilespmem:v36+s12+$0x0], $0xffff  }
0x1bc: {  	v48 =	vor.u32 $0x32, v2;
	v51 =	vld.idx.msk [tilespmem:v41+s13+$0x0], $0xffff;
	v50 =	vmul.f32 v39, v9;
	v3 =	vadd.f32 v46, v3  }
0x1bd: {  	v53 =	vor.u32 $0x33, v1;
	v10 =	vld.idx.msk [tilespmem:v40+s12+$0x0], $0xffff  }
0x1be: {  	v52 =	vor.u32 $0x33, v2;
	v55 =	vld.idx.msk [tilespmem:v45+s13+$0x0], $0xffff;
	v54 =	vmul.f32 v43, v11;
	v3 =	vadd.f32 v50, v3  }
0x1bf: {  	v57 =	vor.u32 $0x34, v1;
	v12 =	vld.idx.msk [tilespmem:v44+s12+$0x0], $0xffff  }
0x1c0: {  	v56 =	vor.u32 $0x34, v2;
	v59 =	vld.idx.msk [tilespmem:v49+s13+$0x0], $0xffff;
	v58 =	vmul.f32 v47, v13;
	v3 =	vadd.f32 v54, v3  }
0x1c1: {  	v61 =	vor.u32 $0x35, v1;
	v7 =	vld.idx.msk [tilespmem:v48+s12+$0x0], $0xffff  }
0x1c2: {  	v60 =	vor.u32 $0x35, v2;
	v63 =	vld.idx.msk [tilespmem:v53+s13+$0x0], $0xffff;
	v62 =	vmul.f32 v51, v10;
	v3 =	vadd.f32 v58, v3  }
0x1c3: {  	v21 =	vor.u32 $0x36, v1;
	v9 =	vld.idx.msk [tilespmem:v52+s12+$0x0], $0xffff  }
0x1c4: {  	v20 =	vor.u32 $0x36, v2;
	v23 =	vld.idx.msk [tilespmem:v57+s13+$0x0], $0xffff;
	v22 =	vmul.f32 v55, v12;
	v3 =	vadd.f32 v62, v3  }
0x1c5: {  	v25 =	vor.u32 $0x37, v1;
	v11 =	vld.idx.msk [tilespmem:v56+s12+$0x0], $0xffff  }
0x1c6: {  	v24 =	vor.u32 $0x37, v2;
	v27 =	vld.idx.msk [tilespmem:v61+s13+$0x0], $0xffff;
	v26 =	vmul.f32 v59, v7;
	v3 =	vadd.f32 v22, v3  }
0x1c7: {  	v29 =	vor.u32 $0x38, v1;
	v13 =	vld.idx.msk [tilespmem:v60+s12+$0x0], $0xffff  }
0x1c8: {  	v28 =	vor.u32 $0x38, v2;
	v31 =	vld.idx.msk [tilespmem:v21+s13+$0x0], $0xffff;
	v30 =	vmul.f32 v63, v9;
	v3 =	vadd.f32 v26, v3  }
0x1c9: {  	v33 =	vor.u32 $0x39, v1;
	v10 =	vld.idx.msk [tilespmem:v20+s12+$0x0], $0xffff  }
0x1ca: {  	v32 =	vor.u32 $0x39, v2;
	v35 =	vld.idx.msk [tilespmem:v25+s13+$0x0], $0xffff;
	v34 =	vmul.f32 v23, v11;
	v3 =	vadd.f32 v30, v3  }
0x1cb: {  	v37 =	vor.u32 $0x3A, v1;
	v12 =	vld.idx.msk [tilespmem:v24+s12+$0x0], $0xffff  }
0x1cc: {  	v36 =	vor.u32 $0x3A, v2;
	v39 =	vld.idx.msk [tilespmem:v29+s13+$0x0], $0xffff;
	v38 =	vmul.f32 v27, v13;
	v3 =	vadd.f32 v34, v3  }
0x1cd: {  	v41 =	vor.u32 $0x3B, v1;
	v7 =	vld.idx.msk [tilespmem:v28+s12+$0x0], $0xffff  }
0x1ce: {  	v40 =	vor.u32 $0x3B, v2;
	v43 =	vld.idx.msk [tilespmem:v33+s13+$0x0], $0xffff;
	v42 =	vmul.f32 v31, v10;
	v3 =	vadd.f32 v38, v3  }
0x1cf: {  	v45 =	vor.u32 $0x3C, v1;
	v9 =	vld.idx.msk [tilespmem:v32+s12+$0x0], $0xffff  }
0x1d0: {  	v44 =	vor.u32 $0x3C, v2;
	v47 =	vld.idx.msk [tilespmem:v37+s13+$0x0], $0xffff;
	v46 =	vmul.f32 v35, v12;
	v3 =	vadd.f32 v42, v3  }
0x1d1: {  	v48 =	vor.u32 $0x3D, v2;
	v11 =	vld.idx.msk [tilespmem:v36+s12+$0x0], $0xffff  }
0x1d2: {  	v49 =	vor.u32 $0x3D, v1;
	v51 =	vld.idx.msk [tilespmem:v41+s13+$0x0], $0xffff;
	v50 =	vmul.f32 v39, v7;
	v3 =	vadd.f32 v46, v3  }
0x1d3: {  	v53 =	vor.u32 $0x3E, v1;
	v13 =	vld.idx.msk [tilespmem:v40+s12+$0x0], $0xffff  }
0x1d4: {  	v52 =	vor.u32 $0x3E, v2;
	v55 =	vld.idx.msk [tilespmem:v45+s13+$0x0], $0xffff;
	v54 =	vmul.f32 v43, v9;
	v3 =	vadd.f32 v50, v3  }
0x1d5: {  	v1 =	vor.u32 $0x3F, v1;
	v10 =	vld.idx.msk [tilespmem:v44+s12+$0x0], $0xffff  }
0x1d6: {  	v2 =	vor.u32 $0x3F, v2;
	v56 =	vld.idx.msk [tilespmem:v48+s12+$0x0], $0xffff;
	v57 =	vmul.f32 v47, v11;
	v3 =	vadd.f32 v54, v3  }
0x1d7: {  	v58 =	vld.idx.msk [tilespmem:v49+s13+$0x0], $0xffff  }
0x1d8: {  	v60 =	vld.idx.msk [tilespmem:v53+s13+$0x0], $0xffff;
	v59 =	vmul.f32 v51, v13;
	v3 =	vadd.f32 v57, v3  }
0x1d9: {  	v7 =	vld.idx.msk [tilespmem:v52+s12+$0x0], $0xffff  }
0x1da: {  	v1 =	vld.idx.msk [tilespmem:v1+s13+$0x0], $0xffff;
	v61 =	vmul.f32 v55, v10;
	v3 =	vadd.f32 v59, v3  }
0x1db: {  	v2 =	vld.idx.msk [tilespmem:v2+s12+$0x0], $0xffff  }
0x1dc: {  	v62 =	vmul.f32 v58, v56;
	v3 =	vadd.f32 v61, v3;
	_ =	sdelay $0x1  }
0x1dd: {  	v63 =	vmul.f32 v60, v7;
	v3 =	vadd.f32 v62, v3;
	_ =	sdelay $0x1  }
0x1de: {  	v1 =	vmul.f32 v1, v2;
	v3 =	vadd.f32 v63, v3;
	_ =	sdelay $0x1  }
0x1df: {  	v1 =	vadd.f32 v1, v3;
	_ =	sdelay $0x1  }
0x1e0: {  	v1 =	vsub.f32 $0.0e+00, v1;
	_ =	sdelay $0x1  }
0x1e1: {  	v1 =	vmul.f32 $1.442695020e+00, v1;
	_ =	sdelay $0x1  }
0x1e2: {  	(erf) = vpow2.f32 v1;
	_ =	sdelay $0x8  }
0x1e3: {  	v1 =	vpop (erf)  }
0x1e4: {  	v1 =	vadd.f32 $1.000000000e+00, v1;
	_ =	sdelay $0x1  }
0x1e5: {  	(erf) = vrcp.f32 v1;
	_ =	sdelay $0x5  }
.Ltmp1:
0x1e6: {  	_ = 	snop;
	(pc) =	sbr.rel @p0 .LBB2_2-.Ltmp1, $3  }
0x1e7: {  	_ =	sdelay $0x1  }
0x1e8: {  	s18 =	sadd.s32 $0x10, s18;
	v1 =	vpop (erf)  }
0x1e9: {  	p1 =	por $0x0, $0x0;
	[tilespmem:s18+$0x0] =	vst v1;
	s18 =	simm.s32 $0x100  }
0x1ea: {  	s17 =	sadd.s32 $0x1, s17  }
0x1eb: {  	p0 =	sne.s32 s17, s9  }
.Ltmp2:
0x1ec: {  	_ = 	snop;
	(pc) =	sbr.rel @p0 .LBB2_1-.Ltmp2, $4  }
0x1ed: {  	[hbm4b:s8+s2] =	stream.linear.scatter [tilespmem:s16], [sflag:$0x3], $0x200, $0x38;
	[tilespmem:$0x10600] =	vst v63  }
0x1ee: {  	_ =	swait.ge [sflag:s10], $0x200  }
0x1ef: {  	[sflag:s10] =	ssyncset.done $0x0  }
0x1f0: {  	[sflag:s10] =	ssyncadd.s32 $0xFFFFFE00  }
0x1f1: {  	_ =	sfence.sel $0x180000  }
0x1f2: {  	[bflag:$0x0] =	sbarrier.arrive $0xFFFF  }
0x1f3: {  	p0 =	sne.s32 s1, $0x0;
	_ =	strace $0x9000004D  }
0x1f4: {  	s0 =	sadd.s32 @!p0 $0x100000, s0;
	[bflag:$0x2] =	sbarrier.arrive $0xFFFF  }
0x1f5: {  	[sflag:s0] =	ssyncadd.tile.s32 @!p0 $0x1;
	_ =	shalt  }
.Lfunc_end2:
_tile_overlayer_lowered:
.L_overlay_start_2:
0x1f6: {  	(tag) =	ssettag $0x2  }
0x1f7: {  	s0 =	rddreg [dreg:$0x0];
	s2 =	stileid.u32  }
0x1f8: {  	s1 =	rddreg [dreg:$0x1];
	p0 =	sne.s32 s2, $0x0  }
0x1f9: {  	s3 =	rddreg [dreg:$0x2];
	[bflag:$0x3] =	sbarrier.arrive $0xFFFF;
	s2 =	simm.s32 @!p0 $0x1C03  }
0x1fa: {  	[timem:s3], [sflag:s2] =	dma.local @!p0 [hbm:s0], s1  }
0x1fb: {  	s0 =	simm.s32 @!p0 $0x3  }
0x1fc: {  	_ =	swait.ge @!p0 [sflag:s0], s1  }
0x1fd: {  	s1 =	ssub.s32 @!p0 $0x0, s1;
	[sflag:s0] =	ssyncset.done @!p0 $0x0  }
0x1fe: {  	[sflag:s0] =	ssyncadd.s32 @!p0 s1  }
0x1ff: {  	[bflag:$0x3] =	sbarrier.arrive $0xFFFF  }
0x200: {  	_ =	shalt  }

// kernel: kernel.5.cloned.1.call-start
scs
__scs_entry_jumppad:
0x0: {  	(pc) =	sbr.rel $0x88, $3  }
0x1: {  	(tag) =	ssettag $0x0;
	lr =	simm.s32 $0x1  }
0x2: {  	[smem:$0x3F9D] =	sst lr;
	_ =	strace $0xD0000000  }
0x3: {  	_ = 	snop  }
0x4: {  	_ = 	snop  }
0x5: {  	_ = 	snop  }
0x6: {  	_ = 	snop  }
0x7: {  	_ = 	snop  }
__scs_overlays_trampoline_lowered:
0x8: {  	[smem:$0x3FAC] =	sst s0  }
0x9: {  	[smem:$0x3FAD] =	sst s1  }
0xa: {  	[smem:$0x3FAE] =	sst s2  }
0xb: {  	[smem:$0x3FAF] =	sst s3  }
0xc: {  	[smem:$0x3FB0] =	sst s4  }
0xd: {  	[smem:$0x3FB1] =	sst s5  }
0xe: {  	[smem:$0x3FB2] =	sst s6  }
0xf: {  	[smem:$0x3FB3] =	sst s7  }
0x10: {  	[smem:$0x3FB4] =	sst s8  }
0x11: {  	[smem:$0x3FB5] =	sst s9;
	s0 =	simm.s32 @!p0 $0x0  }
0x12: {  	s1 =	sld [smem:$0x3F9B];
	s0 =	simm.s32 @p0 $0x1  }
0x13: {  	[smem:$0x3FB6] =	sst s0;
	s0 =	simm.s32 @!p1 $0x0  }
0x14: {  	s2 =	sld [smem:$0x3F9A];
	s0 =	simm.s32 @p1 $0x1  }
0x15: {  	[smem:$0x3FB7] =	sst s0;
	s0 =	simm.s32 @!p2 $0x0  }
0x16: {  	s3 =	sld [smem:$0x3FDB];
	s0 =	simm.s32 @p2 $0x1  }
0x17: {  	s4 =	simm.s32 $0x1BF5;
	[smem:$0x3FB9] =	sst s0  }
0x18: {  	s0 =	sld [smem:$0x3F9C];
	_ =	swait.ge [sflag:s4], $0x0  }
0x19: {  	s7 =	sld [smem:$0x3F9D]  }
0x1a: {  	s8 =	sadd.s32 $0xFFFFE003, lr  }
0x1b: {  	s9 =	sadd.s32 $0xFFFFFEF7, lr;
	s5 =	simm.s32 $0xFFFFFFFF;
	p2 =	slt.u32 s8, $0xFFFFF086  }
0x1c: {  	p1 =	slt.u32 s9, $0xF7A;
	s5 =	simm.s32 @!p2 $0x0  }
0x1d: {  	s5 =	simm.s32 @p1 $0x1;
	p0 =	seq.s32 s7, s2  }
0x1e: {  	s7 =	smul.u32 @!p0 $0xF7A, s2;
	p2 =	seq.s32 @!p0 s5, $0x0  }
0x1f: {  	s9 =	smul.u32 $0xF7A, s1;
	s8 =	simm.s32 @!p0 $0x1BF5;
	p2 =	por !p2, p0  }
0x20: {  	[sflag:s8] =	ssyncset.s32 @!p0 $0xFFFFF086;
	s6 =	sadd.s32 @!p0 s3, s7;
	s7 =	simm.s32 @!p0 $0x108  }
0x21: {  	s3 =	sadd.s32 s3, s9;
	s6 =	sadd.s32 @!p0 $0x88, s6;
	s7 =	simm.s32 @p2 $0x1082  }
0x22: {  	[simem:s7], [sflag:s8] =	dma.local @!p0 [hbm:s6], $0xF7A  }
0x23: {  	s9 =	sor.u32 $0xD0000000, s2;
	s6 =	simm.s32 $0x108;
	_ =	swait.ge @!p0 [sflag:s8], $0x0  }
0x24: {  	s3 =	sadd.s32 $0x88, s3;
	s6 =	simm.s32 @!p1 $0x1082;
	[sflag:s4] =	ssyncset.s32 $0xFFFFF086  }
0x25: {  	[simem:s6], [sflag:s4] =	dma.local [hbm:s3], $0xF7A  }
0x26: {  	[smem:$0x3F9D] =	sst s1;
	(tag) =	ssettag s2;
	_ =	strace s9  }
0x27: {  	s1 =	sld [smem:$0x3FAD]  }
0x28: {  	s2 =	sld [smem:$0x3FAE]  }
0x29: {  	s4 =	sld [smem:$0x3FB0]  }
0x2a: {  	p0 =	seq.s32 s5, $0x0;
	s5 =	sld [smem:$0x3FB1]  }
0x2b: {  	s6 =	sld [smem:$0x3FB2]  }
0x2c: {  	s7 =	sld [smem:$0x3FB3]  }
0x2d: {  	s3 =	simm.s32 $0x108;
	s8 =	sld [smem:$0x3FB4]  }
0x2e: {  	s3 =	simm.s32 @!p0 $0x1082;
	s9 =	sld [smem:$0x3FB5]  }
0x2f: {  	lr =	sadd.s32 s0, s3;
	s0 =	sld [smem:$0x3FAC]  }
0x30: {  	s3 =	sld [smem:$0x3FAF]  }
0x31: {  	[smem:$0x3FB8] =	sst s10  }
0x32: {  	s10 =	sld [smem:$0x3FB6];
	_ =	sdelay $0x3  }
0x33: {  	p0 =	seq.s32 s10, $0x1;
	s10 =	sld [smem:$0x3FB8];
	_ =	sdelay $0x3  }
0x34: {  	[smem:$0x3FB8] =	sst s10  }
0x35: {  	s10 =	sld [smem:$0x3FB7];
	_ =	sdelay $0x3  }
0x36: {  	p1 =	seq.s32 s10, $0x1;
	s10 =	sld [smem:$0x3FB8];
	_ =	sdelay $0x3  }
0x37: {  	[smem:$0x3FB8] =	sst s10  }
0x38: {  	s10 =	sld [smem:$0x3FB9]  }
0x39: {  	_ = 	snop;
	(pc) =	sbr.ind lr, $3  }
0x3a: {  	_ = 	snop  }
0x3b: {  	_ = 	snop  }
0x3c: {  	p2 =	seq.s32 s10, $0x1;
	s10 =	sld [smem:$0x3FB8]  }
0x3d: {  	_ =	shalt  }
0x3e: {  	_ =	shalt  }
0x3f: {  	_ =	shalt  }
0x40: {  	_ =	shalt  }
0x41: {  	_ =	shalt  }
0x42: {  	_ =	shalt  }
0x43: {  	_ =	shalt  }
0x44: {  	_ =	shalt  }
0x45: {  	_ =	shalt  }
0x46: {  	_ =	shalt  }
0x47: {  	_ =	shalt  }
0x48: {  	_ =	shalt  }
0x49: {  	_ =	shalt  }
0x4a: {  	_ =	shalt  }
0x4b: {  	_ =	shalt  }
0x4c: {  	_ =	shalt  }
0x4d: {  	_ =	shalt  }
0x4e: {  	_ =	shalt  }
0x4f: {  	_ =	shalt  }
0x50: {  	_ =	shalt  }
0x51: {  	_ =	shalt  }
0x52: {  	_ =	shalt  }
0x53: {  	_ =	shalt  }
0x54: {  	_ =	shalt  }
0x55: {  	_ =	shalt  }
0x56: {  	_ =	shalt  }
0x57: {  	_ =	shalt  }
0x58: {  	_ =	shalt  }
0x59: {  	_ =	shalt  }
0x5a: {  	_ =	shalt  }
0x5b: {  	_ =	shalt  }
0x5c: {  	_ =	shalt  }
0x5d: {  	_ =	shalt  }
0x5e: {  	_ =	shalt  }
0x5f: {  	_ =	shalt  }
0x60: {  	_ =	shalt  }
0x61: {  	_ =	shalt  }
0x62: {  	_ =	shalt  }
0x63: {  	_ =	shalt  }
0x64: {  	_ =	shalt  }
0x65: {  	_ =	shalt  }
0x66: {  	_ =	shalt  }
0x67: {  	_ =	shalt  }
0x68: {  	_ =	shalt  }
0x69: {  	_ =	shalt  }
0x6a: {  	_ =	shalt  }
0x6b: {  	_ =	shalt  }
0x6c: {  	_ =	shalt  }
0x6d: {  	_ =	shalt  }
0x6e: {  	_ =	shalt  }
0x6f: {  	_ =	shalt  }
0x70: {  	_ =	shalt  }
0x71: {  	_ =	shalt  }
0x72: {  	_ =	shalt  }
0x73: {  	_ =	shalt  }
0x74: {  	_ =	shalt  }
0x75: {  	_ =	shalt  }
0x76: {  	_ =	shalt  }
0x77: {  	_ =	shalt  }
0x78: {  	_ =	shalt  }
0x79: {  	_ =	shalt  }
0x7a: {  	_ =	shalt  }
0x7b: {  	_ =	shalt  }
0x7c: {  	_ =	shalt  }
0x7d: {  	_ =	shalt  }
0x7e: {  	_ =	shalt  }
0x7f: {  	_ =	shalt  }
0x80: {  	_ =	shalt  }
0x81: {  	_ =	shalt  }
0x82: {  	_ =	shalt  }
0x83: {  	_ =	shalt  }
0x84: {  	_ =	shalt  }
0x85: {  	_ =	shalt  }
0x86: {  	_ =	shalt  }
0x87: {  	_ =	shalt  }
.Lfunc_end0:
.L_simem_size_0:
called_computation_lowered:
.L_overlay_start_0:
0x88: {  	s2 =	sld [smem:$0x3FD9]  }
0x89: {  	s3 =	sld [smem:$0x3FFE];
	_ =	sdelay $0x1  }
0x8a: {  	s1 =	srdreg.scid  }
0x8b: {  	s0 =	sand.u32 $0x1, s1  }
0x8c: {  	s17 =	sshll.u32 s0, $0xA;
	s2 =	sadd.s32 s3, s2  }
0x8d: {  	s2 =	sadd.s32 s2, s17  }
0x8e: {  	[smem:$0x3FC4] =	sst s2  }
0x8f: {  	_ = 	snop  }
0x90: {  	s2 =	sld [smem:$0x3FC9];
	(tm) =	ssettm $0x1  }
0x91: {  	s18 =	sld [smem:$0x3FFB];
	_ =	sdelay $0x3  }
0x92: {  	_ =	strace s18  }
0x93: {  	s3 =	sld [smem:$0x3FFC];
	_ =	sdelay $0x3  }
0x94: {  	_ =	strace s3  }
0x95: {  	s3 =	sld [smem:$0x3FFD];
	_ =	sdelay $0x3  }
0x96: {  	_ =	strace s3  }
0x97: {  	_ =	strace $0x8FFFFFFF  }
0x98: {  	s19 =	sld [smem:$0x3FDB];
	_ =	sdelay $0x1  }
0x99: {  	s4 =	simm.s32 $_scs_section_size  }
0x9a: {  	s5 =	simm.s32 $_size__tile_overlayer_lowered;
	s6 =	simm.s32 $_tile_overlayer_lowered  }
0x9b: {  	s22 =	simm.s32 $0x1BFF;
	s21 =	sshll.u32 s6, $0x1;
	s3 =	sadd.s32 s4, s19  }
0x9c: {  	s7 =	simm.s32 $0x0;
	s20 =	sshll.u32 s5, $0x1;
	s5 =	sadd.s32 s21, s3  }
0x9d: {  	[timem:s7], [sflag:s22] =	dma.local [hbm:s5], s20  }
0x9e: {  	_ =	swait.ge [sflag:s22], s20  }
0x9f: {  	s4 =	ssub.s32 $0x0, s20;
	[sflag:s22] =	ssyncset.done $0x0  }
0xa0: {  	[sflag:s22] =	ssyncadd.s32 s4;
	_ =	sdelay $0x1  }
0xa1: {  	s23 =	simm.s32 $0x1B8B  }
0xa2: {  	_ =	swait.ge [sflag:s23], $0x1  }
0xa3: {  	[sflag:s23] =	ssyncset.done $0x0  }
0xa4: {  	s25 =	simm.s32 $0x1B8E;
	s24 =	sld [smem:$0x3FFE];
	[sflag:s23] =	ssyncadd.s32 $0xFFFFFFFF  }
0xa5: {  	s26 =	simm.s32 $execute0_lowered;
	[smem:$0x3FD2] =	sst s25  }
0xa6: {  	s5 =	sshll.u32 s26, $0x1;
	_ =	strace $0x80000046;
	[dreg:$0x1] =	wrdreg $0xFFFFFFFF  }
0xa7: {  	s28 =	simm.s32 $_size_execute0_lowered;
	s3 =	sadd.s32 s3, s5;
	[dreg:$0x0] =	wrdreg $0x0  }
0xa8: {  	s5 =	sshll.u32 s28, $0x1;
	[dreg:$0x2] =	wrdreg s3  }
0xa9: {  	[dreg:$0x3] =	wrdreg s5  }
0xaa: {  	[dreg:$0x4] =	wrdreg $0xC0  }
0xab: {  	_ =	task [dreg:s7], $0x5FFFF  }
0xac: {  	[dreg:$0x1] =	wrdreg $0xFFFFFFFF  }
0xad: {  	[dreg:$0x0] =	wrdreg $0x60  }
0xae: {  	[dreg:$0x2] =	wrdreg s2  }
0xaf: {  	[dreg:$0x3] =	wrdreg s24  }
0xb0: {  	[dreg:$0x4] =	wrdreg $0x9  }
0xb1: {  	_ =	task.clear_ibuf [dreg:s7], $0x5FFFF;
	_ =	strace $0x90000046  }
0xb2: {  	s29 =	simm.s32 $0x9;
	_ =	strace $0x80000048  }
0xb3: {  	_ =	swait.ge [sflag:s29], $0x1  }
0xb4: {  	[sflag:s29] =	ssyncadd.s32 $0xFFFFFFFF  }
0xb5: {  	_ =	strace $0x90000048  }
0xb6: {  	_ =	sfence  }
0xb7: {  	s30 =	sld [smem:$0x0];
	_ =	sdelay $0x2  }
0xb8: {  	s31 =	sshll.u32 s1, $0xD;
	s1 =	sshrl.u32 s1, $0x2  }
0xb9: {  	s3 =	sand.u32 $0x4000, s31;
	s1 =	sadd.s32 s1, s30  }
0xba: {  	s0 =	sor.u32 s3, s0;
	s1 =	sshll.u32 s1, $0x11  }
0xbb: {  	s0 =	sor.u32 s1, s0  }
0xbc: {  	s0 =	sadd.s32 $0x8F2B, s0  }
0xbd: {  	[sflag:s0] =	ssyncadd.remote.s32 $0x1  }
0xbe: {  	_ =	sfence.sel $0xFFFF  }
0xbf: {  	[dreg:$0x0] =	wrdreg $0xFFFFFFFF;
	(pc) =	sbr.abs _section_cstart, $3  }
0xc0: {  	[dreg:$0x1] =	wrdreg $0xFFFFFFFF  }
0xc1: {  	_ =	task.clear_ibuf [dreg:s7], $0x2FFFF;
	_ =	strace $0x9FFFFFFF  }
0xc2: {  	(tm) =	ssettm $0x7FFFFFFF  }
0xc3: {  	_ =	shalt  }
tec
execute0_lowered:
.L_overlay_start_1:
0x0: {  	(tag) =	ssettag $0x1  }
0x1: {  	s4 =	rddreg [dreg:$0x0]  }
0x2: {  	s5 =	rddreg [dreg:$0x1]  }
0x3: {  	s0 =	rddreg [dreg:$0x2]  }
0x4: {  	s2 =	simm.s32 $0x0;
	s3 =	srdreg.scid;
	s1 =	stileid.u32  }
0x5: {  	s10 =	simm.s32 $0x200;
	s11 =	simm.s32 $0x400;
	s12 =	simm.s32 $0x1  }
0x6: {  	s13 =	simm.s32 $0x300;
	s14 =	simm.s32 $0x0;
	s3 =	sand.u32 $0x1, s3  }
0x7: {  	[smem:$0x7FF] =	sst s2;
	s6 =	sshll.u32 s1, $0xA;
	s7 =	sshll.u32 s3, $0x9  }
0x8: {  	_ =	strace $0x80000047;
	s8 =	ssub.s32 $0x2, s3;
	s6 =	sor.u32 s7, s6  }
0x9: {  	s3 =	sadd.s32 $0xF43000, s5;
	s30 =	sshrl.u32 s8, $0x1;
	s9 =	sshll.u32 s6, $0x4  }
0xa: {  	s7 =	ssub.s32 s8, s30;
	s6 =	sshrl.u32 s6, $0x3;
	s8 =	simm.s32 $0x2  }
0xb: {  	s31 =	sadd.s32 s9, s5;
	s4 =	sadd.s32 s4, s6;
	s5 =	smax.u32 s7, $0x1  }
0xc: {  	s9 =	simm.s32 $0x100;
	s6 =	sadd.s32 $0xC00, s31;
	s7 =	sadd.s32 $0x1C00, s31  }
.LBB2_1:
0xd: {  	[tilespmem:s2], [sflag:$0x2] =	stream.linear.gather [hbm4b:s4+s2], $0x200, $0x38;
	[tilespmem:$0x8400] =	vst v63  }
0xe: {  	_ =	swait.ge [sflag:s8], $0x200  }
0xf: {  	[sflag:s8] =	ssyncset.done $0x0  }
0x10: {  	s15 =	simm.s32 $0x0;
	[sflag:s8] =	ssyncadd.s32 $0xFFFFFE00  }
0x11: {  	s16 =	simm.s32 $0x40;
	v0 =	vld [tilespmem:s15+$0x0]  }
.LBB2_2:
0x12: {  	p0 =	sne.s32 s16, $0x7C0  }
.Ltmp0:
0x13: {  	_ = 	snop;
	(pc) =	sbr.rel @p0 .LBB2_2-.Ltmp0, $3  }
0x14: {  	_ =	sdelay $0x1  }
0x15: {  	s17 =	sshra.s32 s16, $0x2;
	s16 =	sadd.s32 $0x40, s16;
	v1 =	vshrl.u32 v0, $0x1  }
0x16: {  	v0 =	vld [tilespmem:s17+$0x0];
	[tilespmem:s15+$0x200] =	vst v1;
	s15 =	smov.u32 s17  }
0x17: {  	_ =	sdelay $0x3  }
0x18: {  	v0 =	vshrl.u32 v0, $0x1  }
0x19: {  	[tilespmem:s15+$0x200] =	vst v0  }
0x1a: {  	[tilespmem:s11], [sflag:$0x1] =	stream.indirect.gather [hbm4b:s3+s9], $0x80, s10, s9, $0xb8;
	[tilespmem:$0x8400] =	vst v63  }
0x1b: {  	_ =	swait.ge [sflag:s12], $0x8000  }
0x1c: {  	[sflag:s12] =	ssyncset.done $0x0  }
0x1d: {  	[sflag:s12] =	ssyncadd.s32 $0xFFFF8000  }
0x1e: {  	[hbm4b:s6+s2] =	stream.linear.scatter [tilespmem:s11], [sflag:$0x2], $0x8000, $0x38;
	[tilespmem:$0x8400] =	vst v63  }
0x1f: {  	_ =	swait.ge [sflag:s8], $0x8000  }
0x20: {  	[sflag:s8] =	ssyncset.done $0x0  }
0x21: {  	[sflag:s8] =	ssyncadd.s32 $0xFFFF8000  }
0x22: {  	[tilespmem:s11], [sflag:$0x1] =	stream.indirect.gather [hbm4b:s3+s9], $0x80, s13, s9, $0xb8;
	[tilespmem:$0x8400] =	vst v63  }
0x23: {  	s14 =	sadd.s32 $0x1, s14;
	_ =	swait.ge [sflag:s12], $0x8000  }
0x24: {  	p0 =	sne.s32 s14, s5;
	[sflag:s12] =	ssyncset.done $0x0  }
.Ltmp1:
0x25: {  	[sflag:s12] =	ssyncadd.s32 $0xFFFF8000;
	(pc) =	sbr.rel @p0 .LBB2_1-.Ltmp1, $4  }
0x26: {  	[hbm4b:s7+s2] =	stream.linear.scatter [tilespmem:s11], [sflag:$0x2], $0x8000, $0x38;
	[tilespmem:$0x8400] =	vst v63  }
0x27: {  	_ =	swait.ge [sflag:s8], $0x8000  }
0x28: {  	[sflag:s8] =	ssyncset.done $0x0  }
0x29: {  	[sflag:s8] =	ssyncadd.s32 $0xFFFF8000  }
0x2a: {  	_ =	sfence.sel $0x180000  }
0x2b: {  	[bflag:$0x0] =	sbarrier.arrive $0xFFFF  }
0x2c: {  	p0 =	sne.s32 s1, $0x0;
	_ =	strace $0x90000047  }
0x2d: {  	s0 =	sadd.s32 @!p0 $0x100000, s0;
	[bflag:$0x2] =	sbarrier.arrive $0xFFFF  }
0x2e: {  	[sflag:s0] =	ssyncadd.tile.s32 @!p0 $0x1;
	_ =	shalt  }
.Lfunc_end2:
_tile_overlayer_lowered:
.L_overlay_start_2:
0x2f: {  	(tag) =	ssettag $0x2  }
0x30: {  	s0 =	rddreg [dreg:$0x0];
	s2 =	stileid.u32  }
0x31: {  	s1 =	rddreg [dreg:$0x1];
	p0 =	sne.s32 s2, $0x0  }
0x32: {  	s3 =	rddreg [dreg:$0x2];
	[bflag:$0x3] =	sbarrier.arrive $0xFFFF;
	s2 =	simm.s32 @!p0 $0x1C02  }
0x33: {  	[timem:s3], [sflag:s2] =	dma.local @!p0 [hbm:s0], s1  }
0x34: {  	s0 =	simm.s32 @!p0 $0x2  }
0x35: {  	_ =	swait.ge @!p0 [sflag:s0], s1  }
0x36: {  	s1 =	ssub.s32 @!p0 $0x0, s1;
	[sflag:s0] =	ssyncset.done @!p0 $0x0  }
0x37: {  	[sflag:s0] =	ssyncadd.s32 @!p0 s1  }
0x38: {  	[bflag:$0x3] =	sbarrier.arrive $0xFFFF  }
0x39: {  	_ =	shalt  }

// kernel: kernel.8.cloned.1.call-start
scs
__scs_entry_jumppad:
0x0: {  	(pc) =	sbr.rel $0x88, $3  }
0x1: {  	(tag) =	ssettag $0x0;
	lr =	simm.s32 $0x1  }
0x2: {  	[smem:$0x3F9D] =	sst lr;
	_ =	strace $0xD0000000  }
0x3: {  	_ = 	snop  }
0x4: {  	_ = 	snop  }
0x5: {  	_ = 	snop  }
0x6: {  	_ = 	snop  }
0x7: {  	_ = 	snop  }
__scs_overlays_trampoline_lowered:
0x8: {  	[smem:$0x3FAC] =	sst s0  }
0x9: {  	[smem:$0x3FAD] =	sst s1  }
0xa: {  	[smem:$0x3FAE] =	sst s2  }
0xb: {  	[smem:$0x3FAF] =	sst s3  }
0xc: {  	[smem:$0x3FB0] =	sst s4  }
0xd: {  	[smem:$0x3FB1] =	sst s5  }
0xe: {  	[smem:$0x3FB2] =	sst s6  }
0xf: {  	[smem:$0x3FB3] =	sst s7  }
0x10: {  	[smem:$0x3FB4] =	sst s8  }
0x11: {  	[smem:$0x3FB5] =	sst s9;
	s0 =	simm.s32 @!p0 $0x0  }
0x12: {  	s1 =	sld [smem:$0x3F9B];
	s0 =	simm.s32 @p0 $0x1  }
0x13: {  	[smem:$0x3FB6] =	sst s0;
	s0 =	simm.s32 @!p1 $0x0  }
0x14: {  	s2 =	sld [smem:$0x3F9A];
	s0 =	simm.s32 @p1 $0x1  }
0x15: {  	[smem:$0x3FB7] =	sst s0;
	s0 =	simm.s32 @!p2 $0x0  }
0x16: {  	s3 =	sld [smem:$0x3FDB];
	s0 =	simm.s32 @p2 $0x1  }
0x17: {  	s4 =	simm.s32 $0x1BF5;
	[smem:$0x3FB9] =	sst s0  }
0x18: {  	s0 =	sld [smem:$0x3F9C];
	_ =	swait.ge [sflag:s4], $0x0  }
0x19: {  	s7 =	sld [smem:$0x3F9D]  }
0x1a: {  	s8 =	sadd.s32 $0xFFFFE003, lr  }
0x1b: {  	s9 =	sadd.s32 $0xFFFFFEF7, lr;
	s5 =	simm.s32 $0xFFFFFFFF;
	p2 =	slt.u32 s8, $0xFFFFF086  }
0x1c: {  	p1 =	slt.u32 s9, $0xF7A;
	s5 =	simm.s32 @!p2 $0x0  }
0x1d: {  	s5 =	simm.s32 @p1 $0x1;
	p0 =	seq.s32 s7, s2  }
0x1e: {  	s7 =	smul.u32 @!p0 $0xF7A, s2;
	p2 =	seq.s32 @!p0 s5, $0x0  }
0x1f: {  	s9 =	smul.u32 $0xF7A, s1;
	s8 =	simm.s32 @!p0 $0x1BF5;
	p2 =	por !p2, p0  }
0x20: {  	[sflag:s8] =	ssyncset.s32 @!p0 $0xFFFFF086;
	s6 =	sadd.s32 @!p0 s3, s7;
	s7 =	simm.s32 @!p0 $0x108  }
0x21: {  	s3 =	sadd.s32 s3, s9;
	s6 =	sadd.s32 @!p0 $0x88, s6;
	s7 =	simm.s32 @p2 $0x1082  }
0x22: {  	[simem:s7], [sflag:s8] =	dma.local @!p0 [hbm:s6], $0xF7A  }
0x23: {  	s9 =	sor.u32 $0xD0000000, s2;
	s6 =	simm.s32 $0x108;
	_ =	swait.ge @!p0 [sflag:s8], $0x0  }
0x24: {  	s3 =	sadd.s32 $0x88, s3;
	s6 =	simm.s32 @!p1 $0x1082;
	[sflag:s4] =	ssyncset.s32 $0xFFFFF086  }
0x25: {  	[simem:s6], [sflag:s4] =	dma.local [hbm:s3], $0xF7A  }
0x26: {  	[smem:$0x3F9D] =	sst s1;
	(tag) =	ssettag s2;
	_ =	strace s9  }
0x27: {  	s1 =	sld [smem:$0x3FAD]  }
0x28: {  	s2 =	sld [smem:$0x3FAE]  }
0x29: {  	s4 =	sld [smem:$0x3FB0]  }
0x2a: {  	p0 =	seq.s32 s5, $0x0;
	s5 =	sld [smem:$0x3FB1]  }
0x2b: {  	s6 =	sld [smem:$0x3FB2]  }
0x2c: {  	s7 =	sld [smem:$0x3FB3]  }
0x2d: {  	s3 =	simm.s32 $0x108;
	s8 =	sld [smem:$0x3FB4]  }
0x2e: {  	s3 =	simm.s32 @!p0 $0x1082;
	s9 =	sld [smem:$0x3FB5]  }
0x2f: {  	lr =	sadd.s32 s0, s3;
	s0 =	sld [smem:$0x3FAC]  }
0x30: {  	s3 =	sld [smem:$0x3FAF]  }
0x31: {  	[smem:$0x3FB8] =	sst s10  }
0x32: {  	s10 =	sld [smem:$0x3FB6];
	_ =	sdelay $0x3  }
0x33: {  	p0 =	seq.s32 s10, $0x1;
	s10 =	sld [smem:$0x3FB8];
	_ =	sdelay $0x3  }
0x34: {  	[smem:$0x3FB8] =	sst s10  }
0x35: {  	s10 =	sld [smem:$0x3FB7];
	_ =	sdelay $0x3  }
0x36: {  	p1 =	seq.s32 s10, $0x1;
	s10 =	sld [smem:$0x3FB8];
	_ =	sdelay $0x3  }
0x37: {  	[smem:$0x3FB8] =	sst s10  }
0x38: {  	s10 =	sld [smem:$0x3FB9]  }
0x39: {  	_ = 	snop;
	(pc) =	sbr.ind lr, $3  }
0x3a: {  	_ = 	snop  }
0x3b: {  	_ = 	snop  }
0x3c: {  	p2 =	seq.s32 s10, $0x1;
	s10 =	sld [smem:$0x3FB8]  }
0x3d: {  	_ =	shalt  }
0x3e: {  	_ =	shalt  }
0x3f: {  	_ =	shalt  }
0x40: {  	_ =	shalt  }
0x41: {  	_ =	shalt  }
0x42: {  	_ =	shalt  }
0x43: {  	_ =	shalt  }
0x44: {  	_ =	shalt  }
0x45: {  	_ =	shalt  }
0x46: {  	_ =	shalt  }
0x47: {  	_ =	shalt  }
0x48: {  	_ =	shalt  }
0x49: {  	_ =	shalt  }
0x4a: {  	_ =	shalt  }
0x4b: {  	_ =	shalt  }
0x4c: {  	_ =	shalt  }
0x4d: {  	_ =	shalt  }
0x4e: {  	_ =	shalt  }
0x4f: {  	_ =	shalt  }
0x50: {  	_ =	shalt  }
0x51: {  	_ =	shalt  }
0x52: {  	_ =	shalt  }
0x53: {  	_ =	shalt  }
0x54: {  	_ =	shalt  }
0x55: {  	_ =	shalt  }
0x56: {  	_ =	shalt  }
0x57: {  	_ =	shalt  }
0x58: {  	_ =	shalt  }
0x59: {  	_ =	shalt  }
0x5a: {  	_ =	shalt  }
0x5b: {  	_ =	shalt  }
0x5c: {  	_ =	shalt  }
0x5d: {  	_ =	shalt  }
0x5e: {  	_ =	shalt  }
0x5f: {  	_ =	shalt  }
0x60: {  	_ =	shalt  }
0x61: {  	_ =	shalt  }
0x62: {  	_ =	shalt  }
0x63: {  	_ =	shalt  }
0x64: {  	_ =	shalt  }
0x65: {  	_ =	shalt  }
0x66: {  	_ =	shalt  }
0x67: {  	_ =	shalt  }
0x68: {  	_ =	shalt  }
0x69: {  	_ =	shalt  }
0x6a: {  	_ =	shalt  }
0x6b: {  	_ =	shalt  }
0x6c: {  	_ =	shalt  }
0x6d: {  	_ =	shalt  }
0x6e: {  	_ =	shalt  }
0x6f: {  	_ =	shalt  }
0x70: {  	_ =	shalt  }
0x71: {  	_ =	shalt  }
0x72: {  	_ =	shalt  }
0x73: {  	_ =	shalt  }
0x74: {  	_ =	shalt  }
0x75: {  	_ =	shalt  }
0x76: {  	_ =	shalt  }
0x77: {  	_ =	shalt  }
0x78: {  	_ =	shalt  }
0x79: {  	_ =	shalt  }
0x7a: {  	_ =	shalt  }
0x7b: {  	_ =	shalt  }
0x7c: {  	_ =	shalt  }
0x7d: {  	_ =	shalt  }
0x7e: {  	_ =	shalt  }
0x7f: {  	_ =	shalt  }
0x80: {  	_ =	shalt  }
0x81: {  	_ =	shalt  }
0x82: {  	_ =	shalt  }
0x83: {  	_ =	shalt  }
0x84: {  	_ =	shalt  }
0x85: {  	_ =	shalt  }
0x86: {  	_ =	shalt  }
0x87: {  	_ =	shalt  }
.Lfunc_end0:
.L_simem_size_0:
called_computation.1_lowered:
.L_overlay_start_0:
0x88: {  	s2 =	sld [smem:$0x3FD9]  }
0x89: {  	s3 =	sld [smem:$0x3FFE];
	_ =	sdelay $0x1  }
0x8a: {  	s1 =	srdreg.scid  }
0x8b: {  	s0 =	sand.u32 $0x1, s1  }
0x8c: {  	s17 =	sshll.u32 s0, $0xA;
	s2 =	sadd.s32 s3, s2  }
0x8d: {  	s2 =	sadd.s32 s2, s17  }
0x8e: {  	[smem:$0x3FC4] =	sst s2  }
0x8f: {  	_ = 	snop  }
0x90: {  	s18 =	sld [smem:$0x3FC8];
	(tm) =	ssettm $0x1  }
0x91: {  	s19 =	sld [smem:$0x3FFB];
	_ =	sdelay $0x3  }
0x92: {  	_ =	strace s19  }
0x93: {  	s2 =	sld [smem:$0x3FFC];
	_ =	sdelay $0x3  }
0x94: {  	_ =	strace s2  }
0x95: {  	s2 =	sld [smem:$0x3FFD];
	_ =	sdelay $0x3  }
0x96: {  	_ =	strace s2  }
0x97: {  	_ =	strace $0x8FFFFFFF  }
0x98: {  	s20 =	sld [smem:$0x3FDB];
	_ =	sdelay $0x1  }
0x99: {  	s4 =	simm.s32 $_scs_section_size  }
0x9a: {  	s5 =	simm.s32 $_size__tile_overlayer_lowered;
	s6 =	simm.s32 $_tile_overlayer_lowered  }
0x9b: {  	s7 =	simm.s32 $0x1BFF;
	s21 =	sshll.u32 s6, $0x1;
	s4 =	sadd.s32 s4, s20  }
0x9c: {  	s22 =	simm.s32 $0x0;
	s5 =	sshll.u32 s5, $0x1;
	s6 =	sadd.s32 s21, s4  }
0x9d: {  	[timem:s22], [sflag:s7] =	dma.local [hbm:s6], s5  }
0x9e: {  	_ =	swait.ge [sflag:s7], s5  }
0x9f: {  	s5 =	ssub.s32 $0x0, s5;
	[sflag:s7] =	ssyncset.done $0x0  }
0xa0: {  	[sflag:s7] =	ssyncadd.s32 s5;
	_ =	sdelay $0x1  }
0xa1: {  	s23 =	simm.s32 $0x1B8B  }
0xa2: {  	_ =	swait.ge [sflag:s23], $0x1  }
0xa3: {  	[sflag:s23] =	ssyncset.done $0x0  }
0xa4: {  	[sflag:s23] =	ssyncadd.s32 $0xFFFFFFFF  }
0xa5: {  	s5 =	sld [smem:$0x0]  }
0xa6: {  	s6 =	sand.u32 $0xFFFFFFFE, s1  }
0xa7: {  	p0 =	sne.s32 s1, s6  }
0xa8: {  	s6 =	sshll.u32 @p0 s6, $0xE  }
0xa9: {  	s6 =	sadd.s32 @p0 $0x11B8D, s6;
	s7 =	sshll.u32 @p0 s5, $0x11  }
0xaa: {  	s6 =	sor.u32 @p0 s7, s6  }
0xab: {  	[sflag:s6] =	ssyncadd.remote.s32 @p0 $0x1;
	_ =	sdelay $0x1  }
0xac: {  	s6 =	simm.s32 @p0 $0x1B8D  }
0xad: {  	_ =	swait.eq @p0 [sflag:s6], $0x1  }
0xae: {  	[sflag:s6] =	ssyncadd.s32 @p0 $0xFFFFFFFF  }
0xaf: {  	s7 =	sshll.u32 @!p0 s1, $0xE  }
0xb0: {  	s7 =	sor.u32 @!p0 $0x4000, s7;
	s6 =	simm.s32 @!p0 $0x1B8D  }
0xb1: {  	s5 =	sshll.u32 @!p0 s5, $0x11;
	s7 =	sadd.s32 @!p0 $0x11B8D, s7;
	_ =	swait.eq @!p0 [sflag:s6], $0x1  }
0xb2: {  	s5 =	sor.u32 @!p0 s5, s7;
	[sflag:s6] =	ssyncadd.s32 @!p0 $0xFFFFFFFF  }
0xb3: {  	s25 =	simm.s32 $0x1B8E;
	s24 =	sld [smem:$0x3FFE];
	[sflag:s5] =	ssyncadd.remote.s32 @!p0 $0x1  }
0xb4: {  	s26 =	simm.s32 $execute0_lowered;
	[smem:$0x3FD2] =	sst s25  }
0xb5: {  	s6 =	sshll.u32 s26, $0x1;
	_ =	strace $0x80000049;
	[dreg:$0x1] =	wrdreg $0xFFFFFFFF  }
0xb6: {  	s28 =	simm.s32 $_size_execute0_lowered;
	s4 =	sadd.s32 s4, s6;
	[dreg:$0x0] =	wrdreg $0x0  }
0xb7: {  	s6 =	sshll.u32 s28, $0x1;
	[dreg:$0x2] =	wrdreg s4  }
0xb8: {  	[dreg:$0x3] =	wrdreg s6  }
0xb9: {  	[dreg:$0x4] =	wrdreg $0xC0  }
0xba: {  	_ =	task [dreg:s22], $0x5FFFF  }
0xbb: {  	[dreg:$0x1] =	wrdreg $0xFFFFFFFF  }
0xbc: {  	[dreg:$0x0] =	wrdreg $0x60  }
0xbd: {  	[dreg:$0x2] =	wrdreg s18  }
0xbe: {  	[dreg:$0x3] =	wrdreg s24  }
0xbf: {  	[dreg:$0x4] =	wrdreg $0xA  }
0xc0: {  	_ =	task.clear_ibuf [dreg:s22], $0x5FFFF;
	_ =	strace $0x90000049  }
0xc1: {  	s29 =	simm.s32 $0xA;
	_ =	strace $0x8000004B  }
0xc2: {  	_ =	swait.ge [sflag:s29], $0x1  }
0xc3: {  	[sflag:s29] =	ssyncadd.s32 $0xFFFFFFFF  }
0xc4: {  	_ =	strace $0x9000004B  }
0xc5: {  	_ =	sfence  }
0xc6: {  	s30 =	sld [smem:$0x0];
	_ =	sdelay $0x2  }
0xc7: {  	s31 =	sshll.u32 s1, $0xD;
	s1 =	sshrl.u32 s1, $0x2  }
0xc8: {  	s4 =	sand.u32 $0x4000, s31;
	s1 =	sadd.s32 s1, s30  }
0xc9: {  	s0 =	sor.u32 s4, s0;
	s1 =	sshll.u32 s1, $0x11  }
0xca: {  	s0 =	sor.u32 s1, s0  }
0xcb: {  	s0 =	sadd.s32 $0x8F2B, s0  }
0xcc: {  	[sflag:s0] =	ssyncadd.remote.s32 $0x1  }
0xcd: {  	_ =	sfence.sel $0xFFFF  }
0xce: {  	[dreg:$0x0] =	wrdreg $0xFFFFFFFF;
	(pc) =	sbr.abs _section_cstart, $3  }
0xcf: {  	[dreg:$0x1] =	wrdreg $0xFFFFFFFF  }
0xd0: {  	_ =	task.clear_ibuf [dreg:s22], $0x2FFFF;
	_ =	strace $0x9FFFFFFF  }
0xd1: {  	(tm) =	ssettm $0x7FFFFFFF  }
tec
execute0_lowered:
.L_overlay_start_1:
0x0: {  	(tag) =	ssettag $0x1  }
0x1: {  	s4 =	rddreg [dreg:$0x0]  }
0x2: {  	s5 =	rddreg [dreg:$0x1]  }
0x3: {  	s0 =	rddreg [dreg:$0x2]  }
0x4: {  	s2 =	simm.s32 $0x0;
	s3 =	srdreg.scid;
	s1 =	stileid.u32  }
0x5: {  	s10 =	simm.s32 $0x200;
	s11 =	simm.s32 $0x400;
	s12 =	simm.s32 $0x1  }
0x6: {  	s13 =	simm.s32 $0x300;
	s14 =	simm.s32 $0x0;
	s3 =	sand.u32 $0x1, s3  }
0x7: {  	[smem:$0x7FF] =	sst s2;
	s6 =	sshll.u32 s1, $0xA;
	s7 =	sshll.u32 s3, $0x9  }
0x8: {  	_ =	strace $0x8000004A;
	s8 =	ssub.s32 $0x2, s3;
	s6 =	sor.u32 s7, s6  }
0x9: {  	s3 =	sadd.s32 $0x40C00, s5;
	s30 =	sshrl.u32 s8, $0x1;
	s9 =	sshll.u32 s6, $0x4  }
0xa: {  	s7 =	ssub.s32 s8, s30;
	s6 =	sshrl.u32 s6, $0x3;
	s8 =	simm.s32 $0x2  }
0xb: {  	s31 =	sadd.s32 s9, s5;
	s4 =	sadd.s32 s4, s6;
	s5 =	smax.u32 s7, $0x1  }
0xc: {  	s9 =	simm.s32 $0x100;
	s6 =	sadd.s32 $0x7E1E00, s31;
	s7 =	sadd.s32 $0x7E2E00, s31  }
.LBB2_1:
0xd: {  	[tilespmem:s2], [sflag:$0x2] =	stream.linear.gather [hbm4b:s4+s2], $0x200, $0x38;
	[tilespmem:$0x8400] =	vst v63  }
0xe: {  	_ =	swait.ge [sflag:s8], $0x200  }
0xf: {  	[sflag:s8] =	ssyncset.done $0x0  }
0x10: {  	s15 =	simm.s32 $0x0;
	[sflag:s8] =	ssyncadd.s32 $0xFFFFFE00  }
0x11: {  	s16 =	simm.s32 $0x40;
	v0 =	vld [tilespmem:s15+$0x0]  }
.LBB2_2:
0x12: {  	p0 =	sne.s32 s16, $0x7C0  }
.Ltmp0:
0x13: {  	_ = 	snop;
	(pc) =	sbr.rel @p0 .LBB2_2-.Ltmp0, $3  }
0x14: {  	_ =	sdelay $0x1  }
0x15: {  	s17 =	sshra.s32 s16, $0x2;
	s16 =	sadd.s32 $0x40, s16;
	v1 =	vshrl.u32 v0, $0x1  }
0x16: {  	v0 =	vld [tilespmem:s17+$0x0];
	[tilespmem:s15+$0x200] =	vst v1;
	s15 =	smov.u32 s17  }
0x17: {  	_ =	sdelay $0x3  }
0x18: {  	v0 =	vshrl.u32 v0, $0x1  }
0x19: {  	[tilespmem:s15+$0x200] =	vst v0  }
0x1a: {  	[tilespmem:s11], [sflag:$0x1] =	stream.indirect.gather [hbm4b:s3+s9], $0x80, s10, s9, $0xb8;
	[tilespmem:$0x8400] =	vst v63  }
0x1b: {  	_ =	swait.ge [sflag:s12], $0x8000  }
0x1c: {  	[sflag:s12] =	ssyncset.done $0x0  }
0x1d: {  	[sflag:s12] =	ssyncadd.s32 $0xFFFF8000  }
0x1e: {  	[hbm4b:s6+s2] =	stream.linear.scatter [tilespmem:s11], [sflag:$0x2], $0x8000, $0x38;
	[tilespmem:$0x8400] =	vst v63  }
0x1f: {  	_ =	swait.ge [sflag:s8], $0x8000  }
0x20: {  	[sflag:s8] =	ssyncset.done $0x0  }
0x21: {  	[sflag:s8] =	ssyncadd.s32 $0xFFFF8000  }
0x22: {  	[tilespmem:s11], [sflag:$0x1] =	stream.indirect.gather [hbm4b:s3+s9], $0x80, s13, s9, $0xb8;
	[tilespmem:$0x8400] =	vst v63  }
0x23: {  	s14 =	sadd.s32 $0x1, s14;
	_ =	swait.ge [sflag:s12], $0x8000  }
0x24: {  	p0 =	sne.s32 s14, s5;
	[sflag:s12] =	ssyncset.done $0x0  }
.Ltmp1:
0x25: {  	[sflag:s12] =	ssyncadd.s32 $0xFFFF8000;
	(pc) =	sbr.rel @p0 .LBB2_1-.Ltmp1, $4  }
0x26: {  	[hbm4b:s7+s2] =	stream.linear.scatter [tilespmem:s11], [sflag:$0x2], $0x8000, $0x38;
	[tilespmem:$0x8400] =	vst v63  }
0x27: {  	_ =	swait.ge [sflag:s8], $0x8000  }
0x28: {  	[sflag:s8] =	ssyncset.done $0x0  }
0x29: {  	[sflag:s8] =	ssyncadd.s32 $0xFFFF8000  }
0x2a: {  	_ =	sfence.sel $0x180000  }
0x2b: {  	[bflag:$0x0] =	sbarrier.arrive $0xFFFF  }
0x2c: {  	p0 =	sne.s32 s1, $0x0;
	_ =	strace $0x9000004A  }
0x2d: {  	s0 =	sadd.s32 @!p0 $0x100000, s0;
	[bflag:$0x2] =	sbarrier.arrive $0xFFFF  }
0x2e: {  	[sflag:s0] =	ssyncadd.tile.s32 @!p0 $0x1;
	_ =	shalt  }
.Lfunc_end2:
_tile_overlayer_lowered:
.L_overlay_start_2:
0x2f: {  	(tag) =	ssettag $0x2  }
0x30: {  	s0 =	rddreg [dreg:$0x0];
	s2 =	stileid.u32  }
0x31: {  	s1 =	rddreg [dreg:$0x1];
	p0 =	sne.s32 s2, $0x0  }
0x32: {  	s3 =	rddreg [dreg:$0x2];
	[bflag:$0x3] =	sbarrier.arrive $0xFFFF;
	s2 =	simm.s32 @!p0 $0x1C02  }
0x33: {  	[timem:s3], [sflag:s2] =	dma.local @!p0 [hbm:s0], s1  }
0x34: {  	s0 =	simm.s32 @!p0 $0x2  }
0x35: {  	_ =	swait.ge @!p0 [sflag:s0], s1  }
0x36: {  	s1 =	ssub.s32 @!p0 $0x0, s1;
	[sflag:s0] =	ssyncset.done @!p0 $0x0  }
0x37: {  	[sflag:s0] =	ssyncadd.s32 @!p0 s1  }
0x38: {  	[bflag:$0x3] =	sbarrier.arrive $0xFFFF  }
0x39: {  	_ =	shalt  }

</sc_bundles>
